<compile_context>
chip_gen: v7x
topology: tpu7x:2x2x1
jax: 0.10.2.dev20260603
libtpu: 0.0.44.dev20260713+nightly
codegen_flags: <defaults>
</compile_context>

<pallas_src>
import functools

import jax
import jax.numpy as jnp
from jax import lax
from jax.experimental import pallas as pl
from jax.experimental.pallas import tpu as pltpu
from jax.experimental.pallas import tpu_sc as plsc

_B = 16384
_D = 32
_NC = 2
_NS = 16
_NW = _NC * _NS
_BPW = _B // _NW


def _fpmc_body(uid_hbm, lid_hbm, pid_hbm, ui_hbm, iu_hbm, il_hbm, li_hbm,
               out_hbm,
               idx_u, idx_l, idx_p, ui_v, iu_v, il_v, li_v, tr_v, out_v,
               sem0, sem1, sem2, sem3):
    wid = lax.axis_index("s") * _NC + lax.axis_index("c")
    base = wid * _BPW

    pltpu.sync_copy(uid_hbm.at[pl.ds(base, _BPW)], idx_u)
    pltpu.sync_copy(lid_hbm.at[pl.ds(base, _BPW)], idx_l)
    pltpu.sync_copy(pid_hbm.at[pl.ds(base, _BPW)], idx_p)

    cu = pltpu.async_copy(ui_hbm.at[idx_u], ui_v, sem0)
    ci = pltpu.async_copy(iu_hbm.at[idx_p], iu_v, sem1)
    cl = pltpu.async_copy(il_hbm.at[idx_p], il_v, sem2)
    cm = pltpu.async_copy(li_hbm.at[idx_l], li_v, sem3)
    cu.wait()
    ci.wait()
    cl.wait()
    cm.wait()

    lane = lax.broadcasted_iota(jnp.int32, (16,), 0)

    def body(g, carry):
        for j in range(16):
            b = g * 16 + j
            p = ui_v[b, pl.ds(0, 16)] * iu_v[b, pl.ds(0, 16)]
            p = p + ui_v[b, pl.ds(16, 16)] * iu_v[b, pl.ds(16, 16)]
            p = p + li_v[b, pl.ds(0, 16)] * il_v[b, pl.ds(0, 16)]
            p = p + li_v[b, pl.ds(16, 16)] * il_v[b, pl.ds(16, 16)]
            plsc.store_scatter(tr_v, [lane * 16 + j], p)
        acc = tr_v[pl.ds(0, 16)]
        for i in range(1, 16):
            acc = acc + tr_v[pl.ds(i * 16, 16)]
        out_v[pl.ds(g * 16, 16)] = acc
        return carry

    lax.fori_loop(0, _BPW // 16, body, 0)
    pltpu.sync_copy(out_v, out_hbm.at[pl.ds(base, _BPW)])


@jax.jit
def _fpmc(user_ids, last_items, pre_items, UI, IU, IL, LI):
    mesh = plsc.VectorSubcoreMesh(core_axis_name="c", subcore_axis_name="s")
    run = pl.kernel(
        _fpmc_body,
        out_type=jax.ShapeDtypeStruct((_B,), jnp.float32),
        mesh=mesh,
        compiler_params=pltpu.CompilerParams(
            needs_layout_passes=False, use_tc_tiling_on_sc=False),
        scratch_types=[
            pltpu.VMEM((_BPW,), jnp.int32),
            pltpu.VMEM((_BPW,), jnp.int32),
            pltpu.VMEM((_BPW,), jnp.int32),
            pltpu.VMEM((_BPW, _D), jnp.float32),
            pltpu.VMEM((_BPW, _D), jnp.float32),
            pltpu.VMEM((_BPW, _D), jnp.float32),
            pltpu.VMEM((_BPW, _D), jnp.float32),
            pltpu.VMEM((256,), jnp.float32),
            pltpu.VMEM((_BPW,), jnp.float32),
            pltpu.SemaphoreType.DMA,
            pltpu.SemaphoreType.DMA,
            pltpu.SemaphoreType.DMA,
            pltpu.SemaphoreType.DMA,
        ],
    )
    return run(user_ids, last_items, pre_items, UI, IU, IL, LI)


def kernel(user_ids, last_items, pre_items, UI, IU, IL, LI):
    return _fpmc(user_ids.astype(jnp.int32), last_items.astype(jnp.int32),
                 pre_items.astype(jnp.int32), UI, IU, IL, LI)

# --- scband reference (transcript-rebuilt; emitter-appended) ---
"""Pipeline reference for scband-fpmc-12335146074888 (READ-ONLY COPY).

The authoritative reference and input builder live on the scoring server;
editing this copy changes nothing except your own understanding.
"""

import jax, jax.numpy as jnp
import numpy as np

NUM_USERS = 100000
NUM_ITEMS = 1000000
EMBED_DIM = 32
BATCH = 16384

def setup_inputs(seed: int = 0) -> dict:
    key = jax.random.key(seed)
    k1, k2, k3, k4, k5, k6, k7 = jax.random.split(key, 7)
    user_ids = jax.random.randint(k1, (BATCH,), 0, NUM_USERS, dtype=jnp.int64 if jax.config.jax_enable_x64 else jnp.int32)
    last_items = jax.random.randint(k2, (BATCH,), 0, NUM_ITEMS, dtype=jnp.int64 if jax.config.jax_enable_x64 else jnp.int32)
    pre_items = jax.random.randint(k3, (BATCH,), 0, NUM_ITEMS, dtype=jnp.int64 if jax.config.jax_enable_x64 else jnp.int32)
    # uniform init like nn.init.uniform_ style reset_parameters('uniform')
    UI = jax.random.uniform(k4, (NUM_USERS, EMBED_DIM), dtype=jnp.float32, minval=0.0, maxval=1.0)
    IU = jax.random.uniform(k5, (NUM_ITEMS, EMBED_DIM), dtype=jnp.float32, minval=0.0, maxval=1.0)
    IL = jax.random.uniform(k6, (NUM_ITEMS, EMBED_DIM), dtype=jnp.float32, minval=0.0, maxval=1.0)
    LI = jax.random.uniform(k7, (NUM_ITEMS, EMBED_DIM), dtype=jnp.float32, minval=0.0, maxval=1.0)
    return {"user_ids": user_ids, "last_items": last_items, "pre_items": pre_items,
            "UI": UI, "IU": IU, "IL": IL, "LI": LI}

def reference(user_ids, last_items, pre_items, UI, IU, IL, LI):
    ui_emb = jnp.take(UI, user_ids, axis=0)          # UI_embeddings(user_ids)
    pre_iu_emb = jnp.take(IU, pre_items, axis=0)     # IU_embeddings(pre_items)
    pre_il_emb = jnp.take(IL, pre_items, axis=0)     # IL_embeddings(pre_items)
    last_emb = jnp.take(LI, last_items, axis=0)      # LI_embeddings(last_items)
    hat_y = jnp.sum(ui_emb * pre_iu_emb, axis=-1) + jnp.sum(last_emb * pre_il_emb, axis=-1)
    return hat_y

if __name__ == "__main__":
    import jax
    _d = setup_inputs()
    print(jax.jit(kernel)(*tuple(_d.values())))

</pallas_src>

<mosaic_0001>
#map = affine_map<(d0, d1) -> (0)>
#map1 = affine_map<(d0, d1) -> (0, 0)>
module attributes {stable_mosaic.version = 14 : i64} {
  func.func @_fpmc_body(%arg0: i32, %arg1: i32, %arg2: memref<16384xi32, #tpu.memory_space<hbm>>, %arg3: memref<16384xi32, #tpu.memory_space<hbm>>, %arg4: memref<16384xi32, #tpu.memory_space<hbm>>, %arg5: memref<100000x32xf32, #tpu.memory_space<hbm>>, %arg6: memref<1000000x32xf32, #tpu.memory_space<hbm>>, %arg7: memref<1000000x32xf32, #tpu.memory_space<hbm>>, %arg8: memref<1000000x32xf32, #tpu.memory_space<hbm>>, %arg9: memref<16384xf32, #tpu.memory_space<hbm>>, %arg10: memref<512xi32, #tpu.memory_space<vmem>>, %arg11: memref<512xi32, #tpu.memory_space<vmem>>, %arg12: memref<512xi32, #tpu.memory_space<vmem>>, %arg13: memref<512x32xf32, #tpu.memory_space<vmem>>, %arg14: memref<512x32xf32, #tpu.memory_space<vmem>>, %arg15: memref<512x32xf32, #tpu.memory_space<vmem>>, %arg16: memref<512x32xf32, #tpu.memory_space<vmem>>, %arg17: memref<256xf32, #tpu.memory_space<vmem>>, %arg18: memref<512xf32, #tpu.memory_space<vmem>>, %arg19: memref<!tpu.dma_semaphore, #tpu.memory_space<semaphore_mem>>, %arg20: memref<!tpu.dma_semaphore, #tpu.memory_space<semaphore_mem>>, %arg21: memref<!tpu.dma_semaphore, #tpu.memory_space<semaphore_mem>>, %arg22: memref<!tpu.dma_semaphore, #tpu.memory_space<semaphore_mem>>) attributes {dimension_semantics = [#tpu.dimension_semantics<core_parallel>, #tpu.dimension_semantics<subcore_parallel>], iteration_bounds = array<i64: 2, 16>, scalar_prefetch = 0 : i64, scratch_operands = 13 : i64, tpu.core_type = #tpu.core_type<sc_vector_subcore>, window_params = [{transform_indices = #map}, {transform_indices = #map}, {transform_indices = #map}, {transform_indices = #map1}, {transform_indices = #map1}, {transform_indices = #map1}, {transform_indices = #map1}, {transform_indices = #map}]} {
    %mul3A = arith.constant 2 : i32
    %mul3A_0 = arith.muli %arg1, %mul3A : i32
    %add3A = arith.addi %mul3A_0, %arg0 : i32
    %mul3A_1 = arith.constant 512 : i32
    %mul3A_2 = arith.muli %add3A, %mul3A_1 : i32
    "tpu.region"() ({
      %run_scoped3A = tpu.sem_alloc : memref<!tpu.dma_semaphore, #tpu.memory_space<semaphore_mem>>
      %dma_start3A_30 = tpu.memref_slice %arg2[%mul3A_2] : memref<16384xi32, #tpu.memory_space<hbm>> -> memref<512xi32, #tpu.memory_space<hbm>>
      %dma_start3A_31 = tpu.memref_slice %arg2[%mul3A_2] : memref<16384xi32, #tpu.memory_space<hbm>> -> memref<512xi32, #tpu.memory_space<hbm>>
      tpu.enqueue_dma source(%dma_start3A_31 : memref<512xi32, #tpu.memory_space<hbm>>) target(%arg10 : memref<512xi32, #tpu.memory_space<vmem>>) target_semaphore(%run_scoped3A : memref<!tpu.dma_semaphore, #tpu.memory_space<semaphore_mem>>)
      %dma_wait3A_32 = tpu.memref_slice %arg2[%mul3A_2] : memref<16384xi32, #tpu.memory_space<hbm>> -> memref<512xi32, #tpu.memory_space<hbm>>
      %dma_wait3A_33 = tpu.memref_slice %arg2[%mul3A_2] : memref<16384xi32, #tpu.memory_space<hbm>> -> memref<512xi32, #tpu.memory_space<hbm>>
      tpu.wait_dma2 semaphore(%run_scoped3A : memref<!tpu.dma_semaphore, #tpu.memory_space<semaphore_mem>>) src(%dma_wait3A_33 : memref<512xi32, #tpu.memory_space<hbm>>) dst(%arg10 : memref<512xi32, #tpu.memory_space<vmem>>)
      tpu.yield
    }) : () -> ()
    "tpu.region"() ({
      %run_scoped3A = tpu.sem_alloc : memref<!tpu.dma_semaphore, #tpu.memory_space<semaphore_mem>>
      %dma_start3A_30 = tpu.memref_slice %arg3[%mul3A_2] : memref<16384xi32, #tpu.memory_space<hbm>> -> memref<512xi32, #tpu.memory_space<hbm>>
      %dma_start3A_31 = tpu.memref_slice %arg3[%mul3A_2] : memref<16384xi32, #tpu.memory_space<hbm>> -> memref<512xi32, #tpu.memory_space<hbm>>
      tpu.enqueue_dma source(%dma_start3A_31 : memref<512xi32, #tpu.memory_space<hbm>>) target(%arg11 : memref<512xi32, #tpu.memory_space<vmem>>) target_semaphore(%run_scoped3A : memref<!tpu.dma_semaphore, #tpu.memory_space<semaphore_mem>>)
      %dma_wait3A_32 = tpu.memref_slice %arg3[%mul3A_2] : memref<16384xi32, #tpu.memory_space<hbm>> -> memref<512xi32, #tpu.memory_space<hbm>>
      %dma_wait3A_33 = tpu.memref_slice %arg3[%mul3A_2] : memref<16384xi32, #tpu.memory_space<hbm>> -> memref<512xi32, #tpu.memory_space<hbm>>
      tpu.wait_dma2 semaphore(%run_scoped3A : memref<!tpu.dma_semaphore, #tpu.memory_space<semaphore_mem>>) src(%dma_wait3A_33 : memref<512xi32, #tpu.memory_space<hbm>>) dst(%arg11 : memref<512xi32, #tpu.memory_space<vmem>>)
      tpu.yield
    }) : () -> ()
    "tpu.region"() ({
      %run_scoped3A = tpu.sem_alloc : memref<!tpu.dma_semaphore, #tpu.memory_space<semaphore_mem>>
      %dma_start3A_30 = tpu.memref_slice %arg4[%mul3A_2] : memref<16384xi32, #tpu.memory_space<hbm>> -> memref<512xi32, #tpu.memory_space<hbm>>
      %dma_start3A_31 = tpu.memref_slice %arg4[%mul3A_2] : memref<16384xi32, #tpu.memory_space<hbm>> -> memref<512xi32, #tpu.memory_space<hbm>>
      tpu.enqueue_dma source(%dma_start3A_31 : memref<512xi32, #tpu.memory_space<hbm>>) target(%arg12 : memref<512xi32, #tpu.memory_space<vmem>>) target_semaphore(%run_scoped3A : memref<!tpu.dma_semaphore, #tpu.memory_space<semaphore_mem>>)
      %dma_wait3A_32 = tpu.memref_slice %arg4[%mul3A_2] : memref<16384xi32, #tpu.memory_space<hbm>> -> memref<512xi32, #tpu.memory_space<hbm>>
      %dma_wait3A_33 = tpu.memref_slice %arg4[%mul3A_2] : memref<16384xi32, #tpu.memory_space<hbm>> -> memref<512xi32, #tpu.memory_space<hbm>>
      tpu.wait_dma2 semaphore(%run_scoped3A : memref<!tpu.dma_semaphore, #tpu.memory_space<semaphore_mem>>) src(%dma_wait3A_33 : memref<512xi32, #tpu.memory_space<hbm>>) dst(%arg12 : memref<512xi32, #tpu.memory_space<vmem>>)
      tpu.yield
    }) : () -> ()
    %dma_start3A = arith.constant 0 : i32
    %dma_start3A_3 = arith.constant 0 : i32
    %dma_start3A_4 = tpu.memref_slice %arg5[%dma_start3A, %dma_start3A_3] : memref<100000x32xf32, #tpu.memory_space<hbm>> -> memref<100000x32xf32, #tpu.memory_space<hbm>>
    tpu.enqueue_indirect_dma source(%dma_start3A_4 : memref<100000x32xf32, #tpu.memory_space<hbm>>) target(%arg13 : memref<512x32xf32, #tpu.memory_space<vmem>>) offsets(%arg10 : memref<512xi32, #tpu.memory_space<vmem>>) semaphore(%arg19 : memref<!tpu.dma_semaphore, #tpu.memory_space<semaphore_mem>>)
    %dma_start3A_5 = arith.constant 0 : i32
    %dma_start3A_6 = arith.constant 0 : i32
    %dma_start3A_7 = tpu.memref_slice %arg6[%dma_start3A_5, %dma_start3A_6] : memref<1000000x32xf32, #tpu.memory_space<hbm>> -> memref<1000000x32xf32, #tpu.memory_space<hbm>>
    tpu.enqueue_indirect_dma source(%dma_start3A_7 : memref<1000000x32xf32, #tpu.memory_space<hbm>>) target(%arg14 : memref<512x32xf32, #tpu.memory_space<vmem>>) offsets(%arg12 : memref<512xi32, #tpu.memory_space<vmem>>) semaphore(%arg20 : memref<!tpu.dma_semaphore, #tpu.memory_space<semaphore_mem>>)
    %dma_start3A_8 = arith.constant 0 : i32
    %dma_start3A_9 = arith.constant 0 : i32
    %dma_start3A_10 = tpu.memref_slice %arg7[%dma_start3A_8, %dma_start3A_9] : memref<1000000x32xf32, #tpu.memory_space<hbm>> -> memref<1000000x32xf32, #tpu.memory_space<hbm>>
    tpu.enqueue_indirect_dma source(%dma_start3A_10 : memref<1000000x32xf32, #tpu.memory_space<hbm>>) target(%arg15 : memref<512x32xf32, #tpu.memory_space<vmem>>) offsets(%arg12 : memref<512xi32, #tpu.memory_space<vmem>>) semaphore(%arg21 : memref<!tpu.dma_semaphore, #tpu.memory_space<semaphore_mem>>)
    %dma_start3A_11 = arith.constant 0 : i32
    %dma_start3A_12 = arith.constant 0 : i32
    %dma_start3A_13 = tpu.memref_slice %arg8[%dma_start3A_11, %dma_start3A_12] : memref<1000000x32xf32, #tpu.memory_space<hbm>> -> memref<1000000x32xf32, #tpu.memory_space<hbm>>
    tpu.enqueue_indirect_dma source(%dma_start3A_13 : memref<1000000x32xf32, #tpu.memory_space<hbm>>) target(%arg16 : memref<512x32xf32, #tpu.memory_space<vmem>>) offsets(%arg11 : memref<512xi32, #tpu.memory_space<vmem>>) semaphore(%arg22 : memref<!tpu.dma_semaphore, #tpu.memory_space<semaphore_mem>>)
    %dma_wait3A = arith.constant 0 : i32
    %dma_wait3A_14 = arith.constant 0 : i32
    %dma_wait3A_15 = tpu.memref_slice %arg5[%dma_wait3A, %dma_wait3A_14] : memref<100000x32xf32, #tpu.memory_space<hbm>> -> memref<100000x32xf32, #tpu.memory_space<hbm>>
    tpu.wait_indirect_dma semaphore(%arg19 : memref<!tpu.dma_semaphore, #tpu.memory_space<semaphore_mem>>) src(%dma_wait3A_15 : memref<100000x32xf32, #tpu.memory_space<hbm>>) dst(%arg13 : memref<512x32xf32, #tpu.memory_space<vmem>>)
    %dma_wait3A_16 = arith.constant 0 : i32
    %dma_wait3A_17 = arith.constant 0 : i32
    %dma_wait3A_18 = tpu.memref_slice %arg6[%dma_wait3A_16, %dma_wait3A_17] : memref<1000000x32xf32, #tpu.memory_space<hbm>> -> memref<1000000x32xf32, #tpu.memory_space<hbm>>
    tpu.wait_indirect_dma semaphore(%arg20 : memref<!tpu.dma_semaphore, #tpu.memory_space<semaphore_mem>>) src(%dma_wait3A_18 : memref<1000000x32xf32, #tpu.memory_space<hbm>>) dst(%arg14 : memref<512x32xf32, #tpu.memory_space<vmem>>)
    %dma_wait3A_19 = arith.constant 0 : i32
    %dma_wait3A_20 = arith.constant 0 : i32
    %dma_wait3A_21 = tpu.memref_slice %arg7[%dma_wait3A_19, %dma_wait3A_20] : memref<1000000x32xf32, #tpu.memory_space<hbm>> -> memref<1000000x32xf32, #tpu.memory_space<hbm>>
    tpu.wait_indirect_dma semaphore(%arg21 : memref<!tpu.dma_semaphore, #tpu.memory_space<semaphore_mem>>) src(%dma_wait3A_21 : memref<1000000x32xf32, #tpu.memory_space<hbm>>) dst(%arg15 : memref<512x32xf32, #tpu.memory_space<vmem>>)
    %dma_wait3A_22 = arith.constant 0 : i32
    %dma_wait3A_23 = arith.constant 0 : i32
    %dma_wait3A_24 = tpu.memref_slice %arg8[%dma_wait3A_22, %dma_wait3A_23] : memref<1000000x32xf32, #tpu.memory_space<hbm>> -> memref<1000000x32xf32, #tpu.memory_space<hbm>>
    tpu.wait_indirect_dma semaphore(%arg22 : memref<!tpu.dma_semaphore, #tpu.memory_space<semaphore_mem>>) src(%dma_wait3A_24 : memref<1000000x32xf32, #tpu.memory_space<hbm>>) dst(%arg16 : memref<512x32xf32, #tpu.memory_space<vmem>>)
    %iota3A = tpu.iota {dimensions = array<i32: 0>} : vector<16xi32>
    %scan3A = arith.constant 0 : i32
    %scan3A_25 = arith.constant 0 : i32
    %scan3A_26 = arith.constant 32 : i32
    %scan3A_27 = arith.addi %scan3A_25, %scan3A_26 : i32
    %scan3A_28 = arith.constant 1 : i32
    scf.for %scan3A_30 = %scan3A_25 to %scan3A_27 step %scan3A_28  : i32 {
      %mul3A_31 = arith.constant 16 : i32
      %mul3A_32 = arith.muli %scan3A_30, %mul3A_31 : i32
      %add3A_33 = arith.constant 0 : i32
      %add3A_34 = arith.addi %mul3A_32, %add3A_33 : i32
      %get3A = arith.index_cast %add3A_34 : i32 to index
      %get3A_35 = arith.constant 0 : index
      %get3A_36 = tpu.vector_load %arg13[%get3A, %get3A_35] {strides = array<i32>} : memref<512x32xf32, #tpu.memory_space<vmem>>, vector<16xf32>,
      %get3A_37 = arith.index_cast %add3A_34 : i32 to index
      %get3A_38 = arith.constant 0 : index
      %get3A_39 = tpu.vector_load %arg14[%get3A_37, %get3A_38] {strides = array<i32>} : memref<512x32xf32, #tpu.memory_space<vmem>>, vector<16xf32>,
      %mul3A_40 = arith.mulf %get3A_36, %get3A_39 : vector<16xf32>
      %get3A_41 = arith.index_cast %add3A_34 : i32 to index
      %get3A_42 = arith.constant 16 : index
      %get3A_43 = tpu.vector_load %arg13[%get3A_41, %get3A_42] {strides = array<i32>} : memref<512x32xf32, #tpu.memory_space<vmem>>, vector<16xf32>,
      %get3A_44 = arith.index_cast %add3A_34 : i32 to index
      %get3A_45 = arith.constant 16 : index
      %get3A_46 = tpu.vector_load %arg14[%get3A_44, %get3A_45] {strides = array<i32>} : memref<512x32xf32, #tpu.memory_space<vmem>>, vector<16xf32>,
      %mul3A_47 = arith.mulf %get3A_43, %get3A_46 : vector<16xf32>
      %add3A_48 = arith.addf %mul3A_40, %mul3A_47 : vector<16xf32>
      %get3A_49 = arith.index_cast %add3A_34 : i32 to index
      %get3A_50 = arith.constant 0 : index
      %get3A_51 = tpu.vector_load %arg16[%get3A_49, %get3A_50] {strides = array<i32>} : memref<512x32xf32, #tpu.memory_space<vmem>>, vector<16xf32>,
      %get3A_52 = arith.index_cast %add3A_34 : i32 to index
      %get3A_53 = arith.constant 0 : index
      %get3A_54 = tpu.vector_load %arg15[%get3A_52, %get3A_53] {strides = array<i32>} : memref<512x32xf32, #tpu.memory_space<vmem>>, vector<16xf32>,
      %mul3A_55 = arith.mulf %get3A_51, %get3A_54 : vector<16xf32>
      %add3A_56 = arith.addf %add3A_48, %mul3A_55 : vector<16xf32>
      %get3A_57 = arith.index_cast %add3A_34 : i32 to index
      %get3A_58 = arith.constant 16 : index
      %get3A_59 = tpu.vector_load %arg16[%get3A_57, %get3A_58] {strides = array<i32>} : memref<512x32xf32, #tpu.memory_space<vmem>>, vector<16xf32>,
      %get3A_60 = arith.index_cast %add3A_34 : i32 to index
      %get3A_61 = arith.constant 16 : index
      %get3A_62 = tpu.vector_load %arg15[%get3A_60, %get3A_61] {strides = array<i32>} : memref<512x32xf32, #tpu.memory_space<vmem>>, vector<16xf32>,
      %mul3A_63 = arith.mulf %get3A_59, %get3A_62 : vector<16xf32>
      %add3A_64 = arith.addf %add3A_56, %mul3A_63 : vector<16xf32>
      %mul3A_65 = arith.constant 16 : i32
      %mul3A_66 = vector.broadcast %mul3A_65 : i32 to vector<16xi32>
      %mul3A_67 = arith.muli %iota3A, %mul3A_66 : vector<16xi32>
      %add3A_68 = arith.constant 0 : i32
      %add3A_69 = vector.broadcast %add3A_68 : i32 to vector<16xi32>
      %add3A_70 = arith.addi %mul3A_67, %add3A_69 : vector<16xi32>
      tpu.vector_store_idx %arg17[%add3A_70], %add3A_64 : memref<256xf32, #tpu.memory_space<vmem>>[vector<16xi32>], vector<16xf32>,
      %mul3A_71 = arith.constant 16 : i32
      %mul3A_72 = arith.muli %scan3A_30, %mul3A_71 : i32
      %add3A_73 = arith.constant 1 : i32
      %add3A_74 = arith.addi %mul3A_72, %add3A_73 : i32
      %get3A_75 = arith.index_cast %add3A_74 : i32 to index
      %get3A_76 = arith.constant 0 : index
      %get3A_77 = tpu.vector_load %arg13[%get3A_75, %get3A_76] {strides = array<i32>} : memref<512x32xf32, #tpu.memory_space<vmem>>, vector<16xf32>,
      %get3A_78 = arith.index_cast %add3A_74 : i32 to index
      %get3A_79 = arith.constant 0 : index
      %get3A_80 = tpu.vector_load %arg14[%get3A_78, %get3A_79] {strides = array<i32>} : memref<512x32xf32, #tpu.memory_space<vmem>>, vector<16xf32>,
      %mul3A_81 = arith.mulf %get3A_77, %get3A_80 : vector<16xf32>
      %get3A_82 = arith.index_cast %add3A_74 : i32 to index
      %get3A_83 = arith.constant 16 : index
      %get3A_84 = tpu.vector_load %arg13[%get3A_82, %get3A_83] {strides = array<i32>} : memref<512x32xf32, #tpu.memory_space<vmem>>, vector<16xf32>,
      %get3A_85 = arith.index_cast %add3A_74 : i32 to index
      %get3A_86 = arith.constant 16 : index
      %get3A_87 = tpu.vector_load %arg14[%get3A_85, %get3A_86] {strides = array<i32>} : memref<512x32xf32, #tpu.memory_space<vmem>>, vector<16xf32>,
      %mul3A_88 = arith.mulf %get3A_84, %get3A_87 : vector<16xf32>
      %add3A_89 = arith.addf %mul3A_81, %mul3A_88 : vector<16xf32>
      %get3A_90 = arith.index_cast %add3A_74 : i32 to index
      %get3A_91 = arith.constant 0 : index
      %get3A_92 = tpu.vector_load %arg16[%get3A_90, %get3A_91] {strides = array<i32>} : memref<512x32xf32, #tpu.memory_space<vmem>>, vector<16xf32>,
      %get3A_93 = arith.index_cast %add3A_74 : i32 to index
      %get3A_94 = arith.constant 0 : index
      %get3A_95 = tpu.vector_load %arg15[%get3A_93, %get3A_94] {strides = array<i32>} : memref<512x32xf32, #tpu.memory_space<vmem>>, vector<16xf32>,
      %mul3A_96 = arith.mulf %get3A_92, %get3A_95 : vector<16xf32>
      %add3A_97 = arith.addf %add3A_89, %mul3A_96 : vector<16xf32>
      %get3A_98 = arith.index_cast %add3A_74 : i32 to index
      %get3A_99 = arith.constant 16 : index
      %get3A_100 = tpu.vector_load %arg16[%get3A_98, %get3A_99] {strides = array<i32>} : memref<512x32xf32, #tpu.memory_space<vmem>>, vector<16xf32>,
      %get3A_101 = arith.index_cast %add3A_74 : i32 to index
      %get3A_102 = arith.constant 16 : index
      %get3A_103 = tpu.vector_load %arg15[%get3A_101, %get3A_102] {strides = array<i32>} : memref<512x32xf32, #tpu.memory_space<vmem>>, vector<16xf32>,
      %mul3A_104 = arith.mulf %get3A_100, %get3A_103 : vector<16xf32>
      %add3A_105 = arith.addf %add3A_97, %mul3A_104 : vector<16xf32>
      %mul3A_106 = arith.constant 16 : i32
      %mul3A_107 = vector.broadcast %mul3A_106 : i32 to vector<16xi32>
      %mul3A_108 = arith.muli %iota3A, %mul3A_107 : vector<16xi32>
      %add3A_109 = arith.constant 1 : i32
      %add3A_110 = vector.broadcast %add3A_109 : i32 to vector<16xi32>
      %add3A_111 = arith.addi %mul3A_108, %add3A_110 : vector<16xi32>
      tpu.vector_store_idx %arg17[%add3A_111], %add3A_105 : memref<256xf32, #tpu.memory_space<vmem>>[vector<16xi32>], vector<16xf32>,
      %mul3A_112 = arith.constant 16 : i32
      %mul3A_113 = arith.muli %scan3A_30, %mul3A_112 : i32
      %add3A_114 = arith.constant 2 : i32
      %add3A_115 = arith.addi %mul3A_113, %add3A_114 : i32
      %get3A_116 = arith.index_cast %add3A_115 : i32 to index
      %get3A_117 = arith.constant 0 : index
      %get3A_118 = tpu.vector_load %arg13[%get3A_116, %get3A_117] {strides = array<i32>} : memref<512x32xf32, #tpu.memory_space<vmem>>, vector<16xf32>,
      %get3A_119 = arith.index_cast %add3A_115 : i32 to index
      %get3A_120 = arith.constant 0 : index
      %get3A_121 = tpu.vector_load %arg14[%get3A_119, %get3A_120] {strides = array<i32>} : memref<512x32xf32, #tpu.memory_space<vmem>>, vector<16xf32>,
      %mul3A_122 = arith.mulf %get3A_118, %get3A_121 : vector<16xf32>
      %get3A_123 = arith.index_cast %add3A_115 : i32 to index
      %get3A_124 = arith.constant 16 : index
      %get3A_125 = tpu.vector_load %arg13[%get3A_123, %get3A_124] {strides = array<i32>} : memref<512x32xf32, #tpu.memory_space<vmem>>, vector<16xf32>,
      %get3A_126 = arith.index_cast %add3A_115 : i32 to index
      %get3A_127 = arith.constant 16 : index
      %get3A_128 = tpu.vector_load %arg14[%get3A_126, %get3A_127] {strides = array<i32>} : memref<512x32xf32, #tpu.memory_space<vmem>>, vector<16xf32>,
      %mul3A_129 = arith.mulf %get3A_125, %get3A_128 : vector<16xf32>
      %add3A_130 = arith.addf %mul3A_122, %mul3A_129 : vector<16xf32>
      %get3A_131 = arith.index_cast %add3A_115 : i32 to index
      %get3A_132 = arith.constant 0 : index
      %get3A_133 = tpu.vector_load %arg16[%get3A_131, %get3A_132] {strides = array<i32>} : memref<512x32xf32, #tpu.memory_space<vmem>>, vector<16xf32>,
      %get3A_134 = arith.index_cast %add3A_115 : i32 to index
      %get3A_135 = arith.constant 0 : index
      %get3A_136 = tpu.vector_load %arg15[%get3A_134, %get3A_135] {strides = array<i32>} : memref<512x32xf32, #tpu.memory_space<vmem>>, vector<16xf32>,
      %mul3A_137 = arith.mulf %get3A_133, %get3A_136 : vector<16xf32>
      %add3A_138 = arith.addf %add3A_130, %mul3A_137 : vector<16xf32>
      %get3A_139 = arith.index_cast %add3A_115 : i32 to index
      %get3A_140 = arith.constant 16 : index
      %get3A_141 = tpu.vector_load %arg16[%get3A_139, %get3A_140] {strides = array<i32>} : memref<512x32xf32, #tpu.memory_space<vmem>>, vector<16xf32>,
      %get3A_142 = arith.index_cast %add3A_115 : i32 to index
      %get3A_143 = arith.constant 16 : index
      %get3A_144 = tpu.vector_load %arg15[%get3A_142, %get3A_143] {strides = array<i32>} : memref<512x32xf32, #tpu.memory_space<vmem>>, vector<16xf32>,
      %mul3A_145 = arith.mulf %get3A_141, %get3A_144 : vector<16xf32>
      %add3A_146 = arith.addf %add3A_138, %mul3A_145 : vector<16xf32>
      %mul3A_147 = arith.constant 16 : i32
      %mul3A_148 = vector.broadcast %mul3A_147 : i32 to vector<16xi32>
      %mul3A_149 = arith.muli %iota3A, %mul3A_148 : vector<16xi32>
      %add3A_150 = arith.constant 2 : i32
      %add3A_151 = vector.broadcast %add3A_150 : i32 to vector<16xi32>
      %add3A_152 = arith.addi %mul3A_149, %add3A_151 : vector<16xi32>
      tpu.vector_store_idx %arg17[%add3A_152], %add3A_146 : memref<256xf32, #tpu.memory_space<vmem>>[vector<16xi32>], vector<16xf32>,
      %mul3A_153 = arith.constant 16 : i32
      %mul3A_154 = arith.muli %scan3A_30, %mul3A_153 : i32
      %add3A_155 = arith.constant 3 : i32
      %add3A_156 = arith.addi %mul3A_154, %add3A_155 : i32
      %get3A_157 = arith.index_cast %add3A_156 : i32 to index
      %get3A_158 = arith.constant 0 : index
      %get3A_159 = tpu.vector_load %arg13[%get3A_157, %get3A_158] {strides = array<i32>} : memref<512x32xf32, #tpu.memory_space<vmem>>, vector<16xf32>,
      %get3A_160 = arith.index_cast %add3A_156 : i32 to index
      %get3A_161 = arith.constant 0 : index
      %get3A_162 = tpu.vector_load %arg14[%get3A_160, %get3A_161] {strides = array<i32>} : memref<512x32xf32, #tpu.memory_space<vmem>>, vector<16xf32>,
      %mul3A_163 = arith.mulf %get3A_159, %get3A_162 : vector<16xf32>
      %get3A_164 = arith.index_cast %add3A_156 : i32 to index
      %get3A_165 = arith.constant 16 : index
      %get3A_166 = tpu.vector_load %arg13[%get3A_164, %get3A_165] {strides = array<i32>} : memref<512x32xf32, #tpu.memory_space<vmem>>, vector<16xf32>,
      %get3A_167 = arith.index_cast %add3A_156 : i32 to index
      %get3A_168 = arith.constant 16 : index
      %get3A_169 = tpu.vector_load %arg14[%get3A_167, %get3A_168] {strides = array<i32>} : memref<512x32xf32, #tpu.memory_space<vmem>>, vector<16xf32>,
      %mul3A_170 = arith.mulf %get3A_166, %get3A_169 : vector<16xf32>
      %add3A_171 = arith.addf %mul3A_163, %mul3A_170 : vector<16xf32>
      %get3A_172 = arith.index_cast %add3A_156 : i32 to index
      %get3A_173 = arith.constant 0 : index
      %get3A_174 = tpu.vector_load %arg16[%get3A_172, %get3A_173] {strides = array<i32>} : memref<512x32xf32, #tpu.memory_space<vmem>>, vector<16xf32>,
      %get3A_175 = arith.index_cast %add3A_156 : i32 to index
      %get3A_176 = arith.constant 0 : index
      %get3A_177 = tpu.vector_load %arg15[%get3A_175, %get3A_176] {strides = array<i32>} : memref<512x32xf32, #tpu.memory_space<vmem>>, vector<16xf32>,
      %mul3A_178 = arith.mulf %get3A_174, %get3A_177 : vector<16xf32>
      %add3A_179 = arith.addf %add3A_171, %mul3A_178 : vector<16xf32>
      %get3A_180 = arith.index_cast %add3A_156 : i32 to index
      %get3A_181 = arith.constant 16 : index
      %get3A_182 = tpu.vector_load %arg16[%get3A_180, %get3A_181] {strides = array<i32>} : memref<512x32xf32, #tpu.memory_space<vmem>>, vector<16xf32>,
      %get3A_183 = arith.index_cast %add3A_156 : i32 to index
      %get3A_184 = arith.constant 16 : index
      %get3A_185 = tpu.vector_load %arg15[%get3A_183, %get3A_184] {strides = array<i32>} : memref<512x32xf32, #tpu.memory_space<vmem>>, vector<16xf32>,
      %mul3A_186 = arith.mulf %get3A_182, %get3A_185 : vector<16xf32>
      %add3A_187 = arith.addf %add3A_179, %mul3A_186 : vector<16xf32>
      %mul3A_188 = arith.constant 16 : i32
      %mul3A_189 = vector.broadcast %mul3A_188 : i32 to vector<16xi32>
      %mul3A_190 = arith.muli %iota3A, %mul3A_189 : vector<16xi32>
      %add3A_191 = arith.constant 3 : i32
      %add3A_192 = vector.broadcast %add3A_191 : i32 to vector<16xi32>
      %add3A_193 = arith.addi %mul3A_190, %add3A_192 : vector<16xi32>
      tpu.vector_store_idx %arg17[%add3A_193], %add3A_187 : memref<256xf32, #tpu.memory_space<vmem>>[vector<16xi32>], vector<16xf32>,
      %mul3A_194 = arith.constant 16 : i32
      %mul3A_195 = arith.muli %scan3A_30, %mul3A_194 : i32
      %add3A_196 = arith.constant 4 : i32
      %add3A_197 = arith.addi %mul3A_195, %add3A_196 : i32
      %get3A_198 = arith.index_cast %add3A_197 : i32 to index
      %get3A_199 = arith.constant 0 : index
      %get3A_200 = tpu.vector_load %arg13[%get3A_198, %get3A_199] {strides = array<i32>} : memref<512x32xf32, #tpu.memory_space<vmem>>, vector<16xf32>,
      %get3A_201 = arith.index_cast %add3A_197 : i32 to index
      %get3A_202 = arith.constant 0 : index
      %get3A_203 = tpu.vector_load %arg14[%get3A_201, %get3A_202] {strides = array<i32>} : memref<512x32xf32, #tpu.memory_space<vmem>>, vector<16xf32>,
      %mul3A_204 = arith.mulf %get3A_200, %get3A_203 : vector<16xf32>
      %get3A_205 = arith.index_cast %add3A_197 : i32 to index
      %get3A_206 = arith.constant 16 : index
      %get3A_207 = tpu.vector_load %arg13[%get3A_205, %get3A_206] {strides = array<i32>} : memref<512x32xf32, #tpu.memory_space<vmem>>, vector<16xf32>,
      %get3A_208 = arith.index_cast %add3A_197 : i32 to index
      %get3A_209 = arith.constant 16 : index
      %get3A_210 = tpu.vector_load %arg14[%get3A_208, %get3A_209] {strides = array<i32>} : memref<512x32xf32, #tpu.memory_space<vmem>>, vector<16xf32>,
      %mul3A_211 = arith.mulf %get3A_207, %get3A_210 : vector<16xf32>
      %add3A_212 = arith.addf %mul3A_204, %mul3A_211 : vector<16xf32>
      %get3A_213 = arith.index_cast %add3A_197 : i32 to index
      %get3A_214 = arith.constant 0 : index
      %get3A_215 = tpu.vector_load %arg16[%get3A_213, %get3A_214] {strides = array<i32>} : memref<512x32xf32, #tpu.memory_space<vmem>>, vector<16xf32>,
      %get3A_216 = arith.index_cast %add3A_197 : i32 to index
      %get3A_217 = arith.constant 0 : index
      %get3A_218 = tpu.vector_load %arg15[%get3A_216, %get3A_217] {strides = array<i32>} : memref<512x32xf32, #tpu.memory_space<vmem>>, vector<16xf32>,
      %mul3A_219 = arith.mulf %get3A_215, %get3A_218 : vector<16xf32>
      %add3A_220 = arith.addf %add3A_212, %mul3A_219 : vector<16xf32>
      %get3A_221 = arith.index_cast %add3A_197 : i32 to index
      %get3A_222 = arith.constant 16 : index
      %get3A_223 = tpu.vector_load %arg16[%get3A_221, %get3A_222] {strides = array<i32>} : memref<512x32xf32, #tpu.memory_space<vmem>>, vector<16xf32>,
      %get3A_224 = arith.index_cast %add3A_197 : i32 to index
      %get3A_225 = arith.constant 16 : index
      %get3A_226 = tpu.vector_load %arg15[%get3A_224, %get3A_225] {strides = array<i32>} : memref<512x32xf32, #tpu.memory_space<vmem>>, vector<16xf32>,
      %mul3A_227 = arith.mulf %get3A_223, %get3A_226 : vector<16xf32>
      %add3A_228 = arith.addf %add3A_220, %mul3A_227 : vector<16xf32>
      %mul3A_229 = arith.constant 16 : i32
      %mul3A_230 = vector.broadcast %mul3A_229 : i32 to vector<16xi32>
      %mul3A_231 = arith.muli %iota3A, %mul3A_230 : vector<16xi32>
      %add3A_232 = arith.constant 4 : i32
      %add3A_233 = vector.broadcast %add3A_232 : i32 to vector<16xi32>
      %add3A_234 = arith.addi %mul3A_231, %add3A_233 : vector<16xi32>
      tpu.vector_store_idx %arg17[%add3A_234], %add3A_228 : memref<256xf32, #tpu.memory_space<vmem>>[vector<16xi32>], vector<16xf32>,
      %mul3A_235 = arith.constant 16 : i32
      %mul3A_236 = arith.muli %scan3A_30, %mul3A_235 : i32
      %add3A_237 = arith.constant 5 : i32
      %add3A_238 = arith.addi %mul3A_236, %add3A_237 : i32
      %get3A_239 = arith.index_cast %add3A_238 : i32 to index
      %get3A_240 = arith.constant 0 : index
      %get3A_241 = tpu.vector_load %arg13[%get3A_239, %get3A_240] {strides = array<i32>} : memref<512x32xf32, #tpu.memory_space<vmem>>, vector<16xf32>,
      %get3A_242 = arith.index_cast %add3A_238 : i32 to index
      %get3A_243 = arith.constant 0 : index
      %get3A_244 = tpu.vector_load %arg14[%get3A_242, %get3A_243] {strides = array<i32>} : memref<512x32xf32, #tpu.memory_space<vmem>>, vector<16xf32>,
      %mul3A_245 = arith.mulf %get3A_241, %get3A_244 : vector<16xf32>
      %get3A_246 = arith.index_cast %add3A_238 : i32 to index
      %get3A_247 = arith.constant 16 : index
      %get3A_248 = tpu.vector_load %arg13[%get3A_246, %get3A_247] {strides = array<i32>} : memref<512x32xf32, #tpu.memory_space<vmem>>, vector<16xf32>,
      %get3A_249 = arith.index_cast %add3A_238 : i32 to index
      %get3A_250 = arith.constant 16 : index
      %get3A_251 = tpu.vector_load %arg14[%get3A_249, %get3A_250] {strides = array<i32>} : memref<512x32xf32, #tpu.memory_space<vmem>>, vector<16xf32>,
      %mul3A_252 = arith.mulf %get3A_248, %get3A_251 : vector<16xf32>
      %add3A_253 = arith.addf %mul3A_245, %mul3A_252 : vector<16xf32>
      %get3A_254 = arith.index_cast %add3A_238 : i32 to index
      %get3A_255 = arith.constant 0 : index
      %get3A_256 = tpu.vector_load %arg16[%get3A_254, %get3A_255] {strides = array<i32>} : memref<512x32xf32, #tpu.memory_space<vmem>>, vector<16xf32>,
      %get3A_257 = arith.index_cast %add3A_238 : i32 to index
      %get3A_258 = arith.constant 0 : index
      %get3A_259 = tpu.vector_load %arg15[%get3A_257, %get3A_258] {strides = array<i32>} : memref<512x32xf32, #tpu.memory_space<vmem>>, vector<16xf32>,
      %mul3A_260 = arith.mulf %get3A_256, %get3A_259 : vector<16xf32>
      %add3A_261 = arith.addf %add3A_253, %mul3A_260 : vector<16xf32>
      %get3A_262 = arith.index_cast %add3A_238 : i32 to index
      %get3A_263 = arith.constant 16 : index
      %get3A_264 = tpu.vector_load %arg16[%get3A_262, %get3A_263] {strides = array<i32>} : memref<512x32xf32, #tpu.memory_space<vmem>>, vector<16xf32>,
      %get3A_265 = arith.index_cast %add3A_238 : i32 to index
      %get3A_266 = arith.constant 16 : index
      %get3A_267 = tpu.vector_load %arg15[%get3A_265, %get3A_266] {strides = array<i32>} : memref<512x32xf32, #tpu.memory_space<vmem>>, vector<16xf32>,
      %mul3A_268 = arith.mulf %get3A_264, %get3A_267 : vector<16xf32>
      %add3A_269 = arith.addf %add3A_261, %mul3A_268 : vector<16xf32>
      %mul3A_270 = arith.constant 16 : i32
      %mul3A_271 = vector.broadcast %mul3A_270 : i32 to vector<16xi32>
      %mul3A_272 = arith.muli %iota3A, %mul3A_271 : vector<16xi32>
      %add3A_273 = arith.constant 5 : i32
      %add3A_274 = vector.broadcast %add3A_273 : i32 to vector<16xi32>
      %add3A_275 = arith.addi %mul3A_272, %add3A_274 : vector<16xi32>
      tpu.vector_store_idx %arg17[%add3A_275], %add3A_269 : memref<256xf32, #tpu.memory_space<vmem>>[vector<16xi32>], vector<16xf32>,
      %mul3A_276 = arith.constant 16 : i32
      %mul3A_277 = arith.muli %scan3A_30, %mul3A_276 : i32
      %add3A_278 = arith.constant 6 : i32
      %add3A_279 = arith.addi %mul3A_277, %add3A_278 : i32
      %get3A_280 = arith.index_cast %add3A_279 : i32 to index
      %get3A_281 = arith.constant 0 : index
      %get3A_282 = tpu.vector_load %arg13[%get3A_280, %get3A_281] {strides = array<i32>} : memref<512x32xf32, #tpu.memory_space<vmem>>, vector<16xf32>,
      %get3A_283 = arith.index_cast %add3A_279 : i32 to index
      %get3A_284 = arith.constant 0 : index
      %get3A_285 = tpu.vector_load %arg14[%get3A_283, %get3A_284] {strides = array<i32>} : memref<512x32xf32, #tpu.memory_space<vmem>>, vector<16xf32>,
      %mul3A_286 = arith.mulf %get3A_282, %get3A_285 : vector<16xf32>
      %get3A_287 = arith.index_cast %add3A_279 : i32 to index
      %get3A_288 = arith.constant 16 : index
      %get3A_289 = tpu.vector_load %arg13[%get3A_287, %get3A_288] {strides = array<i32>} : memref<512x32xf32, #tpu.memory_space<vmem>>, vector<16xf32>,
      %get3A_290 = arith.index_cast %add3A_279 : i32 to index
      %get3A_291 = arith.constant 16 : index
      %get3A_292 = tpu.vector_load %arg14[%get3A_290, %get3A_291] {strides = array<i32>} : memref<512x32xf32, #tpu.memory_space<vmem>>, vector<16xf32>,
      %mul3A_293 = arith.mulf %get3A_289, %get3A_292 : vector<16xf32>
      %add3A_294 = arith.addf %mul3A_286, %mul3A_293 : vector<16xf32>
      %get3A_295 = arith.index_cast %add3A_279 : i32 to index
      %get3A_296 = arith.constant 0 : index
      %get3A_297 = tpu.vector_load %arg16[%get3A_295, %get3A_296] {strides = array<i32>} : memref<512x32xf32, #tpu.memory_space<vmem>>, vector<16xf32>,
      %get3A_298 = arith.index_cast %add3A_279 : i32 to index
      %get3A_299 = arith.constant 0 : index
      %get3A_300 = tpu.vector_load %arg15[%get3A_298, %get3A_299] {strides = array<i32>} : memref<512x32xf32, #tpu.memory_space<vmem>>, vector<16xf32>,
      %mul3A_301 = arith.mulf %get3A_297, %get3A_300 : vector<16xf32>
      %add3A_302 = arith.addf %add3A_294, %mul3A_301 : vector<16xf32>
      %get3A_303 = arith.index_cast %add3A_279 : i32 to index
      %get3A_304 = arith.constant 16 : index
      %get3A_305 = tpu.vector_load %arg16[%get3A_303, %get3A_304] {strides = array<i32>} : memref<512x32xf32, #tpu.memory_space<vmem>>, vector<16xf32>,
      %get3A_306 = arith.index_cast %add3A_279 : i32 to index
      %get3A_307 = arith.constant 16 : index
      %get3A_308 = tpu.vector_load %arg15[%get3A_306, %get3A_307] {strides = array<i32>} : memref<512x32xf32, #tpu.memory_space<vmem>>, vector<16xf32>,
      %mul3A_309 = arith.mulf %get3A_305, %get3A_308 : vector<16xf32>
      %add3A_310 = arith.addf %add3A_302, %mul3A_309 : vector<16xf32>
      %mul3A_311 = arith.constant 16 : i32
      %mul3A_312 = vector.broadcast %mul3A_311 : i32 to vector<16xi32>
      %mul3A_313 = arith.muli %iota3A, %mul3A_312 : vector<16xi32>
      %add3A_314 = arith.constant 6 : i32
      %add3A_315 = vector.broadcast %add3A_314 : i32 to vector<16xi32>
      %add3A_316 = arith.addi %mul3A_313, %add3A_315 : vector<16xi32>
      tpu.vector_store_idx %arg17[%add3A_316], %add3A_310 : memref<256xf32, #tpu.memory_space<vmem>>[vector<16xi32>], vector<16xf32>,
      %mul3A_317 = arith.constant 16 : i32
      %mul3A_318 = arith.muli %scan3A_30, %mul3A_317 : i32
      %add3A_319 = arith.constant 7 : i32
      %add3A_320 = arith.addi %mul3A_318, %add3A_319 : i32
      %get3A_321 = arith.index_cast %add3A_320 : i32 to index
      %get3A_322 = arith.constant 0 : index
      %get3A_323 = tpu.vector_load %arg13[%get3A_321, %get3A_322] {strides = array<i32>} : memref<512x32xf32, #tpu.memory_space<vmem>>, vector<16xf32>,
      %get3A_324 = arith.index_cast %add3A_320 : i32 to index
      %get3A_325 = arith.constant 0 : index
      %get3A_326 = tpu.vector_load %arg14[%get3A_324, %get3A_325] {strides = array<i32>} : memref<512x32xf32, #tpu.memory_space<vmem>>, vector<16xf32>,
      %mul3A_327 = arith.mulf %get3A_323, %get3A_326 : vector<16xf32>
      %get3A_328 = arith.index_cast %add3A_320 : i32 to index
      %get3A_329 = arith.constant 16 : index
      %get3A_330 = tpu.vector_load %arg13[%get3A_328, %get3A_329] {strides = array<i32>} : memref<512x32xf32, #tpu.memory_space<vmem>>, vector<16xf32>,
      %get3A_331 = arith.index_cast %add3A_320 : i32 to index
      %get3A_332 = arith.constant 16 : index
      %get3A_333 = tpu.vector_load %arg14[%get3A_331, %get3A_332] {strides = array<i32>} : memref<512x32xf32, #tpu.memory_space<vmem>>, vector<16xf32>,
      %mul3A_334 = arith.mulf %get3A_330, %get3A_333 : vector<16xf32>
      %add3A_335 = arith.addf %mul3A_327, %mul3A_334 : vector<16xf32>
      %get3A_336 = arith.index_cast %add3A_320 : i32 to index
      %get3A_337 = arith.constant 0 : index
      %get3A_338 = tpu.vector_load %arg16[%get3A_336, %get3A_337] {strides = array<i32>} : memref<512x32xf32, #tpu.memory_space<vmem>>, vector<16xf32>,
      %get3A_339 = arith.index_cast %add3A_320 : i32 to index
      %get3A_340 = arith.constant 0 : index
      %get3A_341 = tpu.vector_load %arg15[%get3A_339, %get3A_340] {strides = array<i32>} : memref<512x32xf32, #tpu.memory_space<vmem>>, vector<16xf32>,
      %mul3A_342 = arith.mulf %get3A_338, %get3A_341 : vector<16xf32>
      %add3A_343 = arith.addf %add3A_335, %mul3A_342 : vector<16xf32>
      %get3A_344 = arith.index_cast %add3A_320 : i32 to index
      %get3A_345 = arith.constant 16 : index
      %get3A_346 = tpu.vector_load %arg16[%get3A_344, %get3A_345] {strides = array<i32>} : memref<512x32xf32, #tpu.memory_space<vmem>>, vector<16xf32>,
      %get3A_347 = arith.index_cast %add3A_320 : i32 to index
      %get3A_348 = arith.constant 16 : index
      %get3A_349 = tpu.vector_load %arg15[%get3A_347, %get3A_348] {strides = array<i32>} : memref<512x32xf32, #tpu.memory_space<vmem>>, vector<16xf32>,
      %mul3A_350 = arith.mulf %get3A_346, %get3A_349 : vector<16xf32>
      %add3A_351 = arith.addf %add3A_343, %mul3A_350 : vector<16xf32>
      %mul3A_352 = arith.constant 16 : i32
      %mul3A_353 = vector.broadcast %mul3A_352 : i32 to vector<16xi32>
      %mul3A_354 = arith.muli %iota3A, %mul3A_353 : vector<16xi32>
      %add3A_355 = arith.constant 7 : i32
      %add3A_356 = vector.broadcast %add3A_355 : i32 to vector<16xi32>
      %add3A_357 = arith.addi %mul3A_354, %add3A_356 : vector<16xi32>
      tpu.vector_store_idx %arg17[%add3A_357], %add3A_351 : memref<256xf32, #tpu.memory_space<vmem>>[vector<16xi32>], vector<16xf32>,
      %mul3A_358 = arith.constant 16 : i32
      %mul3A_359 = arith.muli %scan3A_30, %mul3A_358 : i32
      %add3A_360 = arith.constant 8 : i32
      %add3A_361 = arith.addi %mul3A_359, %add3A_360 : i32
      %get3A_362 = arith.index_cast %add3A_361 : i32 to index
      %get3A_363 = arith.constant 0 : index
      %get3A_364 = tpu.vector_load %arg13[%get3A_362, %get3A_363] {strides = array<i32>} : memref<512x32xf32, #tpu.memory_space<vmem>>, vector<16xf32>,
      %get3A_365 = arith.index_cast %add3A_361 : i32 to index
      %get3A_366 = arith.constant 0 : index
      %get3A_367 = tpu.vector_load %arg14[%get3A_365, %get3A_366] {strides = array<i32>} : memref<512x32xf32, #tpu.memory_space<vmem>>, vector<16xf32>,
      %mul3A_368 = arith.mulf %get3A_364, %get3A_367 : vector<16xf32>
      %get3A_369 = arith.index_cast %add3A_361 : i32 to index
      %get3A_370 = arith.constant 16 : index
      %get3A_371 = tpu.vector_load %arg13[%get3A_369, %get3A_370] {strides = array<i32>} : memref<512x32xf32, #tpu.memory_space<vmem>>, vector<16xf32>,
      %get3A_372 = arith.index_cast %add3A_361 : i32 to index
      %get3A_373 = arith.constant 16 : index
      %get3A_374 = tpu.vector_load %arg14[%get3A_372, %get3A_373] {strides = array<i32>} : memref<512x32xf32, #tpu.memory_space<vmem>>, vector<16xf32>,
      %mul3A_375 = arith.mulf %get3A_371, %get3A_374 : vector<16xf32>
      %add3A_376 = arith.addf %mul3A_368, %mul3A_375 : vector<16xf32>
      %get3A_377 = arith.index_cast %add3A_361 : i32 to index
      %get3A_378 = arith.constant 0 : index
      %get3A_379 = tpu.vector_load %arg16[%get3A_377, %get3A_378] {strides = array<i32>} : memref<512x32xf32, #tpu.memory_space<vmem>>, vector<16xf32>,
      %get3A_380 = arith.index_cast %add3A_361 : i32 to index
      %get3A_381 = arith.constant 0 : index
      %get3A_382 = tpu.vector_load %arg15[%get3A_380, %get3A_381] {strides = array<i32>} : memref<512x32xf32, #tpu.memory_space<vmem>>, vector<16xf32>,
      %mul3A_383 = arith.mulf %get3A_379, %get3A_382 : vector<16xf32>
      %add3A_384 = arith.addf %add3A_376, %mul3A_383 : vector<16xf32>
      %get3A_385 = arith.index_cast %add3A_361 : i32 to index
      %get3A_386 = arith.constant 16 : index
      %get3A_387 = tpu.vector_load %arg16[%get3A_385, %get3A_386] {strides = array<i32>} : memref<512x32xf32, #tpu.memory_space<vmem>>, vector<16xf32>,
      %get3A_388 = arith.index_cast %add3A_361 : i32 to index
      %get3A_389 = arith.constant 16 : index
      %get3A_390 = tpu.vector_load %arg15[%get3A_388, %get3A_389] {strides = array<i32>} : memref<512x32xf32, #tpu.memory_space<vmem>>, vector<16xf32>,
      %mul3A_391 = arith.mulf %get3A_387, %get3A_390 : vector<16xf32>
      %add3A_392 = arith.addf %add3A_384, %mul3A_391 : vector<16xf32>
      %mul3A_393 = arith.constant 16 : i32
      %mul3A_394 = vector.broadcast %mul3A_393 : i32 to vector<16xi32>
      %mul3A_395 = arith.muli %iota3A, %mul3A_394 : vector<16xi32>
      %add3A_396 = arith.constant 8 : i32
      %add3A_397 = vector.broadcast %add3A_396 : i32 to vector<16xi32>
      %add3A_398 = arith.addi %mul3A_395, %add3A_397 : vector<16xi32>
      tpu.vector_store_idx %arg17[%add3A_398], %add3A_392 : memref<256xf32, #tpu.memory_space<vmem>>[vector<16xi32>], vector<16xf32>,
      %mul3A_399 = arith.constant 16 : i32
      %mul3A_400 = arith.muli %scan3A_30, %mul3A_399 : i32
      %add3A_401 = arith.constant 9 : i32
      %add3A_402 = arith.addi %mul3A_400, %add3A_401 : i32
      %get3A_403 = arith.index_cast %add3A_402 : i32 to index
      %get3A_404 = arith.constant 0 : index
      %get3A_405 = tpu.vector_load %arg13[%get3A_403, %get3A_404] {strides = array<i32>} : memref<512x32xf32, #tpu.memory_space<vmem>>, vector<16xf32>,
      %get3A_406 = arith.index_cast %add3A_402 : i32 to index
      %get3A_407 = arith.constant 0 : index
      %get3A_408 = tpu.vector_load %arg14[%get3A_406, %get3A_407] {strides = array<i32>} : memref<512x32xf32, #tpu.memory_space<vmem>>, vector<16xf32>,
      %mul3A_409 = arith.mulf %get3A_405, %get3A_408 : vector<16xf32>
      %get3A_410 = arith.index_cast %add3A_402 : i32 to index
      %get3A_411 = arith.constant 16 : index
      %get3A_412 = tpu.vector_load %arg13[%get3A_410, %get3A_411] {strides = array<i32>} : memref<512x32xf32, #tpu.memory_space<vmem>>, vector<16xf32>,
      %get3A_413 = arith.index_cast %add3A_402 : i32 to index
      %get3A_414 = arith.constant 16 : index
      %get3A_415 = tpu.vector_load %arg14[%get3A_413, %get3A_414] {strides = array<i32>} : memref<512x32xf32, #tpu.memory_space<vmem>>, vector<16xf32>,
      %mul3A_416 = arith.mulf %get3A_412, %get3A_415 : vector<16xf32>
      %add3A_417 = arith.addf %mul3A_409, %mul3A_416 : vector<16xf32>
      %get3A_418 = arith.index_cast %add3A_402 : i32 to index
      %get3A_419 = arith.constant 0 : index
      %get3A_420 = tpu.vector_load %arg16[%get3A_418, %get3A_419] {strides = array<i32>} : memref<512x32xf32, #tpu.memory_space<vmem>>, vector<16xf32>,
      %get3A_421 = arith.index_cast %add3A_402 : i32 to index
      %get3A_422 = arith.constant 0 : index
      %get3A_423 = tpu.vector_load %arg15[%get3A_421, %get3A_422] {strides = array<i32>} : memref<512x32xf32, #tpu.memory_space<vmem>>, vector<16xf32>,
      %mul3A_424 = arith.mulf %get3A_420, %get3A_423 : vector<16xf32>
      %add3A_425 = arith.addf %add3A_417, %mul3A_424 : vector<16xf32>
      %get3A_426 = arith.index_cast %add3A_402 : i32 to index
      %get3A_427 = arith.constant 16 : index
      %get3A_428 = tpu.vector_load %arg16[%get3A_426, %get3A_427] {strides = array<i32>} : memref<512x32xf32, #tpu.memory_space<vmem>>, vector<16xf32>,
      %get3A_429 = arith.index_cast %add3A_402 : i32 to index
      %get3A_430 = arith.constant 16 : index
      %get3A_431 = tpu.vector_load %arg15[%get3A_429, %get3A_430] {strides = array<i32>} : memref<512x32xf32, #tpu.memory_space<vmem>>, vector<16xf32>,
      %mul3A_432 = arith.mulf %get3A_428, %get3A_431 : vector<16xf32>
      %add3A_433 = arith.addf %add3A_425, %mul3A_432 : vector<16xf32>
      %mul3A_434 = arith.constant 16 : i32
      %mul3A_435 = vector.broadcast %mul3A_434 : i32 to vector<16xi32>
      %mul3A_436 = arith.muli %iota3A, %mul3A_435 : vector<16xi32>
      %add3A_437 = arith.constant 9 : i32
      %add3A_438 = vector.broadcast %add3A_437 : i32 to vector<16xi32>
      %add3A_439 = arith.addi %mul3A_436, %add3A_438 : vector<16xi32>
      tpu.vector_store_idx %arg17[%add3A_439], %add3A_433 : memref<256xf32, #tpu.memory_space<vmem>>[vector<16xi32>], vector<16xf32>,
      %mul3A_440 = arith.constant 16 : i32
      %mul3A_441 = arith.muli %scan3A_30, %mul3A_440 : i32
      %add3A_442 = arith.constant 10 : i32
      %add3A_443 = arith.addi %mul3A_441, %add3A_442 : i32
      %get3A_444 = arith.index_cast %add3A_443 : i32 to index
      %get3A_445 = arith.constant 0 : index
      %get3A_446 = tpu.vector_load %arg13[%get3A_444, %get3A_445] {strides = array<i32>} : memref<512x32xf32, #tpu.memory_space<vmem>>, vector<16xf32>,
      %get3A_447 = arith.index_cast %add3A_443 : i32 to index
      %get3A_448 = arith.constant 0 : index
      %get3A_449 = tpu.vector_load %arg14[%get3A_447, %get3A_448] {strides = array<i32>} : memref<512x32xf32, #tpu.memory_space<vmem>>, vector<16xf32>,
      %mul3A_450 = arith.mulf %get3A_446, %get3A_449 : vector<16xf32>
      %get3A_451 = arith.index_cast %add3A_443 : i32 to index
      %get3A_452 = arith.constant 16 : index
      %get3A_453 = tpu.vector_load %arg13[%get3A_451, %get3A_452] {strides = array<i32>} : memref<512x32xf32, #tpu.memory_space<vmem>>, vector<16xf32>,
      %get3A_454 = arith.index_cast %add3A_443 : i32 to index
      %get3A_455 = arith.constant 16 : index
      %get3A_456 = tpu.vector_load %arg14[%get3A_454, %get3A_455] {strides = array<i32>} : memref<512x32xf32, #tpu.memory_space<vmem>>, vector<16xf32>,
      %mul3A_457 = arith.mulf %get3A_453, %get3A_456 : vector<16xf32>
      %add3A_458 = arith.addf %mul3A_450, %mul3A_457 : vector<16xf32>
      %get3A_459 = arith.index_cast %add3A_443 : i32 to index
      %get3A_460 = arith.constant 0 : index
      %get3A_461 = tpu.vector_load %arg16[%get3A_459, %get3A_460] {strides = array<i32>} : memref<512x32xf32, #tpu.memory_space<vmem>>, vector<16xf32>,
      %get3A_462 = arith.index_cast %add3A_443 : i32 to index
      %get3A_463 = arith.constant 0 : index
      %get3A_464 = tpu.vector_load %arg15[%get3A_462, %get3A_463] {strides = array<i32>} : memref<512x32xf32, #tpu.memory_space<vmem>>, vector<16xf32>,
      %mul3A_465 = arith.mulf %get3A_461, %get3A_464 : vector<16xf32>
      %add3A_466 = arith.addf %add3A_458, %mul3A_465 : vector<16xf32>
      %get3A_467 = arith.index_cast %add3A_443 : i32 to index
      %get3A_468 = arith.constant 16 : index
      %get3A_469 = tpu.vector_load %arg16[%get3A_467, %get3A_468] {strides = array<i32>} : memref<512x32xf32, #tpu.memory_space<vmem>>, vector<16xf32>,
      %get3A_470 = arith.index_cast %add3A_443 : i32 to index
      %get3A_471 = arith.constant 16 : index
      %get3A_472 = tpu.vector_load %arg15[%get3A_470, %get3A_471] {strides = array<i32>} : memref<512x32xf32, #tpu.memory_space<vmem>>, vector<16xf32>,
      %mul3A_473 = arith.mulf %get3A_469, %get3A_472 : vector<16xf32>
      %add3A_474 = arith.addf %add3A_466, %mul3A_473 : vector<16xf32>
      %mul3A_475 = arith.constant 16 : i32
      %mul3A_476 = vector.broadcast %mul3A_475 : i32 to vector<16xi32>
      %mul3A_477 = arith.muli %iota3A, %mul3A_476 : vector<16xi32>
      %add3A_478 = arith.constant 10 : i32
      %add3A_479 = vector.broadcast %add3A_478 : i32 to vector<16xi32>
      %add3A_480 = arith.addi %mul3A_477, %add3A_479 : vector<16xi32>
      tpu.vector_store_idx %arg17[%add3A_480], %add3A_474 : memref<256xf32, #tpu.memory_space<vmem>>[vector<16xi32>], vector<16xf32>,
      %mul3A_481 = arith.constant 16 : i32
      %mul3A_482 = arith.muli %scan3A_30, %mul3A_481 : i32
      %add3A_483 = arith.constant 11 : i32
      %add3A_484 = arith.addi %mul3A_482, %add3A_483 : i32
      %get3A_485 = arith.index_cast %add3A_484 : i32 to index
      %get3A_486 = arith.constant 0 : index
      %get3A_487 = tpu.vector_load %arg13[%get3A_485, %get3A_486] {strides = array<i32>} : memref<512x32xf32, #tpu.memory_space<vmem>>, vector<16xf32>,
      %get3A_488 = arith.index_cast %add3A_484 : i32 to index
      %get3A_489 = arith.constant 0 : index
      %get3A_490 = tpu.vector_load %arg14[%get3A_488, %get3A_489] {strides = array<i32>} : memref<512x32xf32, #tpu.memory_space<vmem>>, vector<16xf32>,
      %mul3A_491 = arith.mulf %get3A_487, %get3A_490 : vector<16xf32>
      %get3A_492 = arith.index_cast %add3A_484 : i32 to index
      %get3A_493 = arith.constant 16 : index
      %get3A_494 = tpu.vector_load %arg13[%get3A_492, %get3A_493] {strides = array<i32>} : memref<512x32xf32, #tpu.memory_space<vmem>>, vector<16xf32>,
      %get3A_495 = arith.index_cast %add3A_484 : i32 to index
      %get3A_496 = arith.constant 16 : index
      %get3A_497 = tpu.vector_load %arg14[%get3A_495, %get3A_496] {strides = array<i32>} : memref<512x32xf32, #tpu.memory_space<vmem>>, vector<16xf32>,
      %mul3A_498 = arith.mulf %get3A_494, %get3A_497 : vector<16xf32>
      %add3A_499 = arith.addf %mul3A_491, %mul3A_498 : vector<16xf32>
      %get3A_500 = arith.index_cast %add3A_484 : i32 to index
      %get3A_501 = arith.constant 0 : index
      %get3A_502 = tpu.vector_load %arg16[%get3A_500, %get3A_501] {strides = array<i32>} : memref<512x32xf32, #tpu.memory_space<vmem>>, vector<16xf32>,
      %get3A_503 = arith.index_cast %add3A_484 : i32 to index
      %get3A_504 = arith.constant 0 : index
      %get3A_505 = tpu.vector_load %arg15[%get3A_503, %get3A_504] {strides = array<i32>} : memref<512x32xf32, #tpu.memory_space<vmem>>, vector<16xf32>,
      %mul3A_506 = arith.mulf %get3A_502, %get3A_505 : vector<16xf32>
      %add3A_507 = arith.addf %add3A_499, %mul3A_506 : vector<16xf32>
      %get3A_508 = arith.index_cast %add3A_484 : i32 to index
      %get3A_509 = arith.constant 16 : index
      %get3A_510 = tpu.vector_load %arg16[%get3A_508, %get3A_509] {strides = array<i32>} : memref<512x32xf32, #tpu.memory_space<vmem>>, vector<16xf32>,
      %get3A_511 = arith.index_cast %add3A_484 : i32 to index
      %get3A_512 = arith.constant 16 : index
      %get3A_513 = tpu.vector_load %arg15[%get3A_511, %get3A_512] {strides = array<i32>} : memref<512x32xf32, #tpu.memory_space<vmem>>, vector<16xf32>,
      %mul3A_514 = arith.mulf %get3A_510, %get3A_513 : vector<16xf32>
      %add3A_515 = arith.addf %add3A_507, %mul3A_514 : vector<16xf32>
      %mul3A_516 = arith.constant 16 : i32
      %mul3A_517 = vector.broadcast %mul3A_516 : i32 to vector<16xi32>
      %mul3A_518 = arith.muli %iota3A, %mul3A_517 : vector<16xi32>
      %add3A_519 = arith.constant 11 : i32
      %add3A_520 = vector.broadcast %add3A_519 : i32 to vector<16xi32>
      %add3A_521 = arith.addi %mul3A_518, %add3A_520 : vector<16xi32>
      tpu.vector_store_idx %arg17[%add3A_521], %add3A_515 : memref<256xf32, #tpu.memory_space<vmem>>[vector<16xi32>], vector<16xf32>,
      %mul3A_522 = arith.constant 16 : i32
      %mul3A_523 = arith.muli %scan3A_30, %mul3A_522 : i32
      %add3A_524 = arith.constant 12 : i32
      %add3A_525 = arith.addi %mul3A_523, %add3A_524 : i32
      %get3A_526 = arith.index_cast %add3A_525 : i32 to index
      %get3A_527 = arith.constant 0 : index
      %get3A_528 = tpu.vector_load %arg13[%get3A_526, %get3A_527] {strides = array<i32>} : memref<512x32xf32, #tpu.memory_space<vmem>>, vector<16xf32>,
      %get3A_529 = arith.index_cast %add3A_525 : i32 to index
      %get3A_530 = arith.constant 0 : index
      %get3A_531 = tpu.vector_load %arg14[%get3A_529, %get3A_530] {strides = array<i32>} : memref<512x32xf32, #tpu.memory_space<vmem>>, vector<16xf32>,
      %mul3A_532 = arith.mulf %get3A_528, %get3A_531 : vector<16xf32>
      %get3A_533 = arith.index_cast %add3A_525 : i32 to index
      %get3A_534 = arith.constant 16 : index
      %get3A_535 = tpu.vector_load %arg13[%get3A_533, %get3A_534] {strides = array<i32>} : memref<512x32xf32, #tpu.memory_space<vmem>>, vector<16xf32>,
      %get3A_536 = arith.index_cast %add3A_525 : i32 to index
      %get3A_537 = arith.constant 16 : index
      %get3A_538 = tpu.vector_load %arg14[%get3A_536, %get3A_537] {strides = array<i32>} : memref<512x32xf32, #tpu.memory_space<vmem>>, vector<16xf32>,
      %mul3A_539 = arith.mulf %get3A_535, %get3A_538 : vector<16xf32>
      %add3A_540 = arith.addf %mul3A_532, %mul3A_539 : vector<16xf32>
      %get3A_541 = arith.index_cast %add3A_525 : i32 to index
      %get3A_542 = arith.constant 0 : index
      %get3A_543 = tpu.vector_load %arg16[%get3A_541, %get3A_542] {strides = array<i32>} : memref<512x32xf32, #tpu.memory_space<vmem>>, vector<16xf32>,
      %get3A_544 = arith.index_cast %add3A_525 : i32 to index
      %get3A_545 = arith.constant 0 : index
      %get3A_546 = tpu.vector_load %arg15[%get3A_544, %get3A_545] {strides = array<i32>} : memref<512x32xf32, #tpu.memory_space<vmem>>, vector<16xf32>,
      %mul3A_547 = arith.mulf %get3A_543, %get3A_546 : vector<16xf32>
      %add3A_548 = arith.addf %add3A_540, %mul3A_547 : vector<16xf32>
      %get3A_549 = arith.index_cast %add3A_525 : i32 to index
      %get3A_550 = arith.constant 16 : index
      %get3A_551 = tpu.vector_load %arg16[%get3A_549, %get3A_550] {strides = array<i32>} : memref<512x32xf32, #tpu.memory_space<vmem>>, vector<16xf32>,
      %get3A_552 = arith.index_cast %add3A_525 : i32 to index
      %get3A_553 = arith.constant 16 : index
      %get3A_554 = tpu.vector_load %arg15[%get3A_552, %get3A_553] {strides = array<i32>} : memref<512x32xf32, #tpu.memory_space<vmem>>, vector<16xf32>,
      %mul3A_555 = arith.mulf %get3A_551, %get3A_554 : vector<16xf32>
      %add3A_556 = arith.addf %add3A_548, %mul3A_555 : vector<16xf32>
      %mul3A_557 = arith.constant 16 : i32
      %mul3A_558 = vector.broadcast %mul3A_557 : i32 to vector<16xi32>
      %mul3A_559 = arith.muli %iota3A, %mul3A_558 : vector<16xi32>
      %add3A_560 = arith.constant 12 : i32
      %add3A_561 = vector.broadcast %add3A_560 : i32 to vector<16xi32>
      %add3A_562 = arith.addi %mul3A_559, %add3A_561 : vector<16xi32>
      tpu.vector_store_idx %arg17[%add3A_562], %add3A_556 : memref<256xf32, #tpu.memory_space<vmem>>[vector<16xi32>], vector<16xf32>,
      %mul3A_563 = arith.constant 16 : i32
      %mul3A_564 = arith.muli %scan3A_30, %mul3A_563 : i32
      %add3A_565 = arith.constant 13 : i32
      %add3A_566 = arith.addi %mul3A_564, %add3A_565 : i32
      %get3A_567 = arith.index_cast %add3A_566 : i32 to index
      %get3A_568 = arith.constant 0 : index
      %get3A_569 = tpu.vector_load %arg13[%get3A_567, %get3A_568] {strides = array<i32>} : memref<512x32xf32, #tpu.memory_space<vmem>>, vector<16xf32>,
      %get3A_570 = arith.index_cast %add3A_566 : i32 to index
      %get3A_571 = arith.constant 0 : index
      %get3A_572 = tpu.vector_load %arg14[%get3A_570, %get3A_571] {strides = array<i32>} : memref<512x32xf32, #tpu.memory_space<vmem>>, vector<16xf32>,
      %mul3A_573 = arith.mulf %get3A_569, %get3A_572 : vector<16xf32>
      %get3A_574 = arith.index_cast %add3A_566 : i32 to index
      %get3A_575 = arith.constant 16 : index
      %get3A_576 = tpu.vector_load %arg13[%get3A_574, %get3A_575] {strides = array<i32>} : memref<512x32xf32, #tpu.memory_space<vmem>>, vector<16xf32>,
      %get3A_577 = arith.index_cast %add3A_566 : i32 to index
      %get3A_578 = arith.constant 16 : index
      %get3A_579 = tpu.vector_load %arg14[%get3A_577, %get3A_578] {strides = array<i32>} : memref<512x32xf32, #tpu.memory_space<vmem>>, vector<16xf32>,
      %mul3A_580 = arith.mulf %get3A_576, %get3A_579 : vector<16xf32>
      %add3A_581 = arith.addf %mul3A_573, %mul3A_580 : vector<16xf32>
      %get3A_582 = arith.index_cast %add3A_566 : i32 to index
      %get3A_583 = arith.constant 0 : index
      %get3A_584 = tpu.vector_load %arg16[%get3A_582, %get3A_583] {strides = array<i32>} : memref<512x32xf32, #tpu.memory_space<vmem>>, vector<16xf32>,
      %get3A_585 = arith.index_cast %add3A_566 : i32 to index
      %get3A_586 = arith.constant 0 : index
      %get3A_587 = tpu.vector_load %arg15[%get3A_585, %get3A_586] {strides = array<i32>} : memref<512x32xf32, #tpu.memory_space<vmem>>, vector<16xf32>,
      %mul3A_588 = arith.mulf %get3A_584, %get3A_587 : vector<16xf32>
      %add3A_589 = arith.addf %add3A_581, %mul3A_588 : vector<16xf32>
      %get3A_590 = arith.index_cast %add3A_566 : i32 to index
      %get3A_591 = arith.constant 16 : index
      %get3A_592 = tpu.vector_load %arg16[%get3A_590, %get3A_591] {strides = array<i32>} : memref<512x32xf32, #tpu.memory_space<vmem>>, vector<16xf32>,
      %get3A_593 = arith.index_cast %add3A_566 : i32 to index
      %get3A_594 = arith.constant 16 : index
      %get3A_595 = tpu.vector_load %arg15[%get3A_593, %get3A_594] {strides = array<i32>} : memref<512x32xf32, #tpu.memory_space<vmem>>, vector<16xf32>,
      %mul3A_596 = arith.mulf %get3A_592, %get3A_595 : vector<16xf32>
      %add3A_597 = arith.addf %add3A_589, %mul3A_596 : vector<16xf32>
      %mul3A_598 = arith.constant 16 : i32
      %mul3A_599 = vector.broadcast %mul3A_598 : i32 to vector<16xi32>
      %mul3A_600 = arith.muli %iota3A, %mul3A_599 : vector<16xi32>
      %add3A_601 = arith.constant 13 : i32
      %add3A_602 = vector.broadcast %add3A_601 : i32 to vector<16xi32>
      %add3A_603 = arith.addi %mul3A_600, %add3A_602 : vector<16xi32>
      tpu.vector_store_idx %arg17[%add3A_603], %add3A_597 : memref<256xf32, #tpu.memory_space<vmem>>[vector<16xi32>], vector<16xf32>,
      %mul3A_604 = arith.constant 16 : i32
      %mul3A_605 = arith.muli %scan3A_30, %mul3A_604 : i32
      %add3A_606 = arith.constant 14 : i32
      %add3A_607 = arith.addi %mul3A_605, %add3A_606 : i32
      %get3A_608 = arith.index_cast %add3A_607 : i32 to index
      %get3A_609 = arith.constant 0 : index
      %get3A_610 = tpu.vector_load %arg13[%get3A_608, %get3A_609] {strides = array<i32>} : memref<512x32xf32, #tpu.memory_space<vmem>>, vector<16xf32>,
      %get3A_611 = arith.index_cast %add3A_607 : i32 to index
      %get3A_612 = arith.constant 0 : index
      %get3A_613 = tpu.vector_load %arg14[%get3A_611, %get3A_612] {strides = array<i32>} : memref<512x32xf32, #tpu.memory_space<vmem>>, vector<16xf32>,
      %mul3A_614 = arith.mulf %get3A_610, %get3A_613 : vector<16xf32>
      %get3A_615 = arith.index_cast %add3A_607 : i32 to index
      %get3A_616 = arith.constant 16 : index
      %get3A_617 = tpu.vector_load %arg13[%get3A_615, %get3A_616] {strides = array<i32>} : memref<512x32xf32, #tpu.memory_space<vmem>>, vector<16xf32>,
      %get3A_618 = arith.index_cast %add3A_607 : i32 to index
      %get3A_619 = arith.constant 16 : index
      %get3A_620 = tpu.vector_load %arg14[%get3A_618, %get3A_619] {strides = array<i32>} : memref<512x32xf32, #tpu.memory_space<vmem>>, vector<16xf32>,
      %mul3A_621 = arith.mulf %get3A_617, %get3A_620 : vector<16xf32>
      %add3A_622 = arith.addf %mul3A_614, %mul3A_621 : vector<16xf32>
      %get3A_623 = arith.index_cast %add3A_607 : i32 to index
      %get3A_624 = arith.constant 0 : index
      %get3A_625 = tpu.vector_load %arg16[%get3A_623, %get3A_624] {strides = array<i32>} : memref<512x32xf32, #tpu.memory_space<vmem>>, vector<16xf32>,
      %get3A_626 = arith.index_cast %add3A_607 : i32 to index
      %get3A_627 = arith.constant 0 : index
      %get3A_628 = tpu.vector_load %arg15[%get3A_626, %get3A_627] {strides = array<i32>} : memref<512x32xf32, #tpu.memory_space<vmem>>, vector<16xf32>,
      %mul3A_629 = arith.mulf %get3A_625, %get3A_628 : vector<16xf32>
      %add3A_630 = arith.addf %add3A_622, %mul3A_629 : vector<16xf32>
      %get3A_631 = arith.index_cast %add3A_607 : i32 to index
      %get3A_632 = arith.constant 16 : index
      %get3A_633 = tpu.vector_load %arg16[%get3A_631, %get3A_632] {strides = array<i32>} : memref<512x32xf32, #tpu.memory_space<vmem>>, vector<16xf32>,
      %get3A_634 = arith.index_cast %add3A_607 : i32 to index
      %get3A_635 = arith.constant 16 : index
      %get3A_636 = tpu.vector_load %arg15[%get3A_634, %get3A_635] {strides = array<i32>} : memref<512x32xf32, #tpu.memory_space<vmem>>, vector<16xf32>,
      %mul3A_637 = arith.mulf %get3A_633, %get3A_636 : vector<16xf32>
      %add3A_638 = arith.addf %add3A_630, %mul3A_637 : vector<16xf32>
      %mul3A_639 = arith.constant 16 : i32
      %mul3A_640 = vector.broadcast %mul3A_639 : i32 to vector<16xi32>
      %mul3A_641 = arith.muli %iota3A, %mul3A_640 : vector<16xi32>
      %add3A_642 = arith.constant 14 : i32
      %add3A_643 = vector.broadcast %add3A_642 : i32 to vector<16xi32>
      %add3A_644 = arith.addi %mul3A_641, %add3A_643 : vector<16xi32>
      tpu.vector_store_idx %arg17[%add3A_644], %add3A_638 : memref<256xf32, #tpu.memory_space<vmem>>[vector<16xi32>], vector<16xf32>,
      %mul3A_645 = arith.constant 16 : i32
      %mul3A_646 = arith.muli %scan3A_30, %mul3A_645 : i32
      %add3A_647 = arith.constant 15 : i32
      %add3A_648 = arith.addi %mul3A_646, %add3A_647 : i32
      %get3A_649 = arith.index_cast %add3A_648 : i32 to index
      %get3A_650 = arith.constant 0 : index
      %get3A_651 = tpu.vector_load %arg13[%get3A_649, %get3A_650] {strides = array<i32>} : memref<512x32xf32, #tpu.memory_space<vmem>>, vector<16xf32>,
      %get3A_652 = arith.index_cast %add3A_648 : i32 to index
      %get3A_653 = arith.constant 0 : index
      %get3A_654 = tpu.vector_load %arg14[%get3A_652, %get3A_653] {strides = array<i32>} : memref<512x32xf32, #tpu.memory_space<vmem>>, vector<16xf32>,
      %mul3A_655 = arith.mulf %get3A_651, %get3A_654 : vector<16xf32>
      %get3A_656 = arith.index_cast %add3A_648 : i32 to index
      %get3A_657 = arith.constant 16 : index
      %get3A_658 = tpu.vector_load %arg13[%get3A_656, %get3A_657] {strides = array<i32>} : memref<512x32xf32, #tpu.memory_space<vmem>>, vector<16xf32>,
      %get3A_659 = arith.index_cast %add3A_648 : i32 to index
      %get3A_660 = arith.constant 16 : index
      %get3A_661 = tpu.vector_load %arg14[%get3A_659, %get3A_660] {strides = array<i32>} : memref<512x32xf32, #tpu.memory_space<vmem>>, vector<16xf32>,
      %mul3A_662 = arith.mulf %get3A_658, %get3A_661 : vector<16xf32>
      %add3A_663 = arith.addf %mul3A_655, %mul3A_662 : vector<16xf32>
      %get3A_664 = arith.index_cast %add3A_648 : i32 to index
      %get3A_665 = arith.constant 0 : index
      %get3A_666 = tpu.vector_load %arg16[%get3A_664, %get3A_665] {strides = array<i32>} : memref<512x32xf32, #tpu.memory_space<vmem>>, vector<16xf32>,
      %get3A_667 = arith.index_cast %add3A_648 : i32 to index
      %get3A_668 = arith.constant 0 : index
      %get3A_669 = tpu.vector_load %arg15[%get3A_667, %get3A_668] {strides = array<i32>} : memref<512x32xf32, #tpu.memory_space<vmem>>, vector<16xf32>,
      %mul3A_670 = arith.mulf %get3A_666, %get3A_669 : vector<16xf32>
      %add3A_671 = arith.addf %add3A_663, %mul3A_670 : vector<16xf32>
      %get3A_672 = arith.index_cast %add3A_648 : i32 to index
      %get3A_673 = arith.constant 16 : index
      %get3A_674 = tpu.vector_load %arg16[%get3A_672, %get3A_673] {strides = array<i32>} : memref<512x32xf32, #tpu.memory_space<vmem>>, vector<16xf32>,
      %get3A_675 = arith.index_cast %add3A_648 : i32 to index
      %get3A_676 = arith.constant 16 : index
      %get3A_677 = tpu.vector_load %arg15[%get3A_675, %get3A_676] {strides = array<i32>} : memref<512x32xf32, #tpu.memory_space<vmem>>, vector<16xf32>,
      %mul3A_678 = arith.mulf %get3A_674, %get3A_677 : vector<16xf32>
      %add3A_679 = arith.addf %add3A_671, %mul3A_678 : vector<16xf32>
      %mul3A_680 = arith.constant 16 : i32
      %mul3A_681 = vector.broadcast %mul3A_680 : i32 to vector<16xi32>
      %mul3A_682 = arith.muli %iota3A, %mul3A_681 : vector<16xi32>
      %add3A_683 = arith.constant 15 : i32
      %add3A_684 = vector.broadcast %add3A_683 : i32 to vector<16xi32>
      %add3A_685 = arith.addi %mul3A_682, %add3A_684 : vector<16xi32>
      tpu.vector_store_idx %arg17[%add3A_685], %add3A_679 : memref<256xf32, #tpu.memory_space<vmem>>[vector<16xi32>], vector<16xf32>,
      %get3A_686 = arith.constant 0 : index
      %get3A_687 = tpu.vector_load %arg17[%get3A_686] {strides = array<i32>} : memref<256xf32, #tpu.memory_space<vmem>>, vector<16xf32>,
      %get3A_688 = arith.constant 16 : index
      %get3A_689 = tpu.vector_load %arg17[%get3A_688] {strides = array<i32>} : memref<256xf32, #tpu.memory_space<vmem>>, vector<16xf32>,
      %add3A_690 = arith.addf %get3A_687, %get3A_689 : vector<16xf32>
      %get3A_691 = arith.constant 32 : index
      %get3A_692 = tpu.vector_load %arg17[%get3A_691] {strides = array<i32>} : memref<256xf32, #tpu.memory_space<vmem>>, vector<16xf32>,
      %add3A_693 = arith.addf %add3A_690, %get3A_692 : vector<16xf32>
      %get3A_694 = arith.constant 48 : index
      %get3A_695 = tpu.vector_load %arg17[%get3A_694] {strides = array<i32>} : memref<256xf32, #tpu.memory_space<vmem>>, vector<16xf32>,
      %add3A_696 = arith.addf %add3A_693, %get3A_695 : vector<16xf32>
      %get3A_697 = arith.constant 64 : index
      %get3A_698 = tpu.vector_load %arg17[%get3A_697] {strides = array<i32>} : memref<256xf32, #tpu.memory_space<vmem>>, vector<16xf32>,
      %add3A_699 = arith.addf %add3A_696, %get3A_698 : vector<16xf32>
      %get3A_700 = arith.constant 80 : index
      %get3A_701 = tpu.vector_load %arg17[%get3A_700] {strides = array<i32>} : memref<256xf32, #tpu.memory_space<vmem>>, vector<16xf32>,
      %add3A_702 = arith.addf %add3A_699, %get3A_701 : vector<16xf32>
      %get3A_703 = arith.constant 96 : index
      %get3A_704 = tpu.vector_load %arg17[%get3A_703] {strides = array<i32>} : memref<256xf32, #tpu.memory_space<vmem>>, vector<16xf32>,
      %add3A_705 = arith.addf %add3A_702, %get3A_704 : vector<16xf32>
      %get3A_706 = arith.constant 112 : index
      %get3A_707 = tpu.vector_load %arg17[%get3A_706] {strides = array<i32>} : memref<256xf32, #tpu.memory_space<vmem>>, vector<16xf32>,
      %add3A_708 = arith.addf %add3A_705, %get3A_707 : vector<16xf32>
      %get3A_709 = arith.constant 128 : index
      %get3A_710 = tpu.vector_load %arg17[%get3A_709] {strides = array<i32>} : memref<256xf32, #tpu.memory_space<vmem>>, vector<16xf32>,
      %add3A_711 = arith.addf %add3A_708, %get3A_710 : vector<16xf32>
      %get3A_712 = arith.constant 144 : index
      %get3A_713 = tpu.vector_load %arg17[%get3A_712] {strides = array<i32>} : memref<256xf32, #tpu.memory_space<vmem>>, vector<16xf32>,
      %add3A_714 = arith.addf %add3A_711, %get3A_713 : vector<16xf32>
      %get3A_715 = arith.constant 160 : index
      %get3A_716 = tpu.vector_load %arg17[%get3A_715] {strides = array<i32>} : memref<256xf32, #tpu.memory_space<vmem>>, vector<16xf32>,
      %add3A_717 = arith.addf %add3A_714, %get3A_716 : vector<16xf32>
      %get3A_718 = arith.constant 176 : index
      %get3A_719 = tpu.vector_load %arg17[%get3A_718] {strides = array<i32>} : memref<256xf32, #tpu.memory_space<vmem>>, vector<16xf32>,
      %add3A_720 = arith.addf %add3A_717, %get3A_719 : vector<16xf32>
      %get3A_721 = arith.constant 192 : index
      %get3A_722 = tpu.vector_load %arg17[%get3A_721] {strides = array<i32>} : memref<256xf32, #tpu.memory_space<vmem>>, vector<16xf32>,
      %add3A_723 = arith.addf %add3A_720, %get3A_722 : vector<16xf32>
      %get3A_724 = arith.constant 208 : index
      %get3A_725 = tpu.vector_load %arg17[%get3A_724] {strides = array<i32>} : memref<256xf32, #tpu.memory_space<vmem>>, vector<16xf32>,
      %add3A_726 = arith.addf %add3A_723, %get3A_725 : vector<16xf32>
      %get3A_727 = arith.constant 224 : index
      %get3A_728 = tpu.vector_load %arg17[%get3A_727] {strides = array<i32>} : memref<256xf32, #tpu.memory_space<vmem>>, vector<16xf32>,
      %add3A_729 = arith.addf %add3A_726, %get3A_728 : vector<16xf32>
      %get3A_730 = arith.constant 240 : index
      %get3A_731 = tpu.vector_load %arg17[%get3A_730] {strides = array<i32>} : memref<256xf32, #tpu.memory_space<vmem>>, vector<16xf32>,
      %add3A_732 = arith.addf %add3A_729, %get3A_731 : vector<16xf32>
      %mul3A_733 = arith.constant 16 : i32
      %mul3A_734 = arith.muli %scan3A_30, %mul3A_733 : i32
      %swap3A = arith.index_cast %mul3A_734 : i32 to index
      %swap3A_735 = tpu.vector_load %arg18[%swap3A] {strides = array<i32>} : memref<512xf32, #tpu.memory_space<vmem>>, vector<16xf32>,
      tpu.vector_store %arg18[%swap3A], %add3A_732 {strides = array<i32>} : memref<512xf32, #tpu.memory_space<vmem>>, vector<16xf32>,
    }
    %scan3A_29 = arith.constant 32 : i32
    "tpu.region"() ({
      %run_scoped3A = tpu.sem_alloc : memref<!tpu.dma_semaphore, #tpu.memory_space<semaphore_mem>>
      %dma_start3A_30 = tpu.memref_slice %arg9[%mul3A_2] : memref<16384xf32, #tpu.memory_space<hbm>> -> memref<512xf32, #tpu.memory_space<hbm>>
      %dma_start3A_31 = tpu.memref_slice %arg9[%mul3A_2] : memref<16384xf32, #tpu.memory_space<hbm>> -> memref<512xf32, #tpu.memory_space<hbm>>
      tpu.enqueue_dma source(%arg18 : memref<512xf32, #tpu.memory_space<vmem>>) target(%dma_start3A_31 : memref<512xf32, #tpu.memory_space<hbm>>) target_semaphore(%run_scoped3A : memref<!tpu.dma_semaphore, #tpu.memory_space<semaphore_mem>>)
      %dma_wait3A_32 = tpu.memref_slice %arg9[%mul3A_2] : memref<16384xf32, #tpu.memory_space<hbm>> -> memref<512xf32, #tpu.memory_space<hbm>>
      %dma_wait3A_33 = tpu.memref_slice %arg9[%mul3A_2] : memref<16384xf32, #tpu.memory_space<hbm>> -> memref<512xf32, #tpu.memory_space<hbm>>
      tpu.wait_dma2 semaphore(%run_scoped3A : memref<!tpu.dma_semaphore, #tpu.memory_space<semaphore_mem>>) src(%arg18 : memref<512xf32, #tpu.memory_space<vmem>>) dst(%dma_wait3A_33 : memref<512xf32, #tpu.memory_space<hbm>>)
      tpu.yield
    }) : () -> ()
    return
  }
}

</mosaic_0001>

<sc_bundles>
// kernel: _fpmc.3.cloned.1.call-start
scs
__scs_entry_jumppad:
0x0: {  	(pc) =	sbr.rel $0x88, $3  }
0x1: {  	(tag) =	ssettag $0x0;
	lr =	simm.s32 $0x1  }
0x2: {  	[smem:$0x3F9A] =	sst lr;
	_ =	strace $0xD0000000  }
0x3: {  	_ = 	snop  }
0x4: {  	_ = 	snop  }
0x5: {  	_ = 	snop  }
0x6: {  	_ = 	snop  }
0x7: {  	_ = 	snop  }
__scs_overlays_trampoline_lowered:
0x8: {  	[smem:$0x3FA9] =	sst s0  }
0x9: {  	[smem:$0x3FAA] =	sst s1  }
0xa: {  	[smem:$0x3FAB] =	sst s2  }
0xb: {  	[smem:$0x3FAC] =	sst s3  }
0xc: {  	[smem:$0x3FAD] =	sst s4  }
0xd: {  	[smem:$0x3FAE] =	sst s5  }
0xe: {  	[smem:$0x3FAF] =	sst s6  }
0xf: {  	[smem:$0x3FB0] =	sst s7  }
0x10: {  	[smem:$0x3FB1] =	sst s8  }
0x11: {  	[smem:$0x3FB2] =	sst s9;
	s0 =	simm.s32 @!p0 $0x0  }
0x12: {  	s1 =	sld [smem:$0x3F98];
	s0 =	simm.s32 @p0 $0x1  }
0x13: {  	[smem:$0x3FB3] =	sst s0;
	s0 =	simm.s32 @!p1 $0x0  }
0x14: {  	s2 =	sld [smem:$0x3F97];
	s0 =	simm.s32 @p1 $0x1  }
0x15: {  	[smem:$0x3FB4] =	sst s0;
	s0 =	simm.s32 @!p2 $0x0  }
0x16: {  	s3 =	sld [smem:$0x3FDB];
	s0 =	simm.s32 @p2 $0x1  }
0x17: {  	s4 =	simm.s32 $0x1BF5;
	[smem:$0x3FB6] =	sst s0  }
0x18: {  	s0 =	sld [smem:$0x3F99];
	_ =	swait.ge [sflag:s4], $0x0  }
0x19: {  	s7 =	sld [smem:$0x3F9A]  }
0x1a: {  	s8 =	sadd.s32 $0xFFFFE003, lr  }
0x1b: {  	s9 =	sadd.s32 $0xFFFFFEF7, lr;
	s5 =	simm.s32 $0xFFFFFFFF;
	p2 =	slt.u32 s8, $0xFFFFF086  }
0x1c: {  	p1 =	slt.u32 s9, $0xF7A;
	s5 =	simm.s32 @!p2 $0x0  }
0x1d: {  	s5 =	simm.s32 @p1 $0x1;
	p0 =	seq.s32 s7, s2  }
0x1e: {  	s7 =	smul.u32 @!p0 $0xF7A, s2;
	p2 =	seq.s32 @!p0 s5, $0x0  }
0x1f: {  	s9 =	smul.u32 $0xF7A, s1;
	s8 =	simm.s32 @!p0 $0x1BF5;
	p2 =	por !p2, p0  }
0x20: {  	[sflag:s8] =	ssyncset.s32 @!p0 $0xFFFFF086;
	s6 =	sadd.s32 @!p0 s3, s7;
	s7 =	simm.s32 @!p0 $0x108  }
0x21: {  	s3 =	sadd.s32 s3, s9;
	s6 =	sadd.s32 @!p0 $0x88, s6;
	s7 =	simm.s32 @p2 $0x1082  }
0x22: {  	[simem:s7], [sflag:s8] =	dma.local @!p0 [hbm:s6], $0xF7A  }
0x23: {  	s9 =	sor.u32 $0xD0000000, s2;
	s6 =	simm.s32 $0x108;
	_ =	swait.ge @!p0 [sflag:s8], $0x0  }
0x24: {  	s3 =	sadd.s32 $0x88, s3;
	s6 =	simm.s32 @!p1 $0x1082;
	[sflag:s4] =	ssyncset.s32 $0xFFFFF086  }
0x25: {  	[simem:s6], [sflag:s4] =	dma.local [hbm:s3], $0xF7A  }
0x26: {  	[smem:$0x3F9A] =	sst s1;
	(tag) =	ssettag s2;
	_ =	strace s9  }
0x27: {  	s1 =	sld [smem:$0x3FAA]  }
0x28: {  	s2 =	sld [smem:$0x3FAB]  }
0x29: {  	s4 =	sld [smem:$0x3FAD]  }
0x2a: {  	p0 =	seq.s32 s5, $0x0;
	s5 =	sld [smem:$0x3FAE]  }
0x2b: {  	s6 =	sld [smem:$0x3FAF]  }
0x2c: {  	s7 =	sld [smem:$0x3FB0]  }
0x2d: {  	s3 =	simm.s32 $0x108;
	s8 =	sld [smem:$0x3FB1]  }
0x2e: {  	s3 =	simm.s32 @!p0 $0x1082;
	s9 =	sld [smem:$0x3FB2]  }
0x2f: {  	lr =	sadd.s32 s0, s3;
	s0 =	sld [smem:$0x3FA9]  }
0x30: {  	s3 =	sld [smem:$0x3FAC]  }
0x31: {  	[smem:$0x3FB5] =	sst s10  }
0x32: {  	s10 =	sld [smem:$0x3FB3];
	_ =	sdelay $0x3  }
0x33: {  	p0 =	seq.s32 s10, $0x1;
	s10 =	sld [smem:$0x3FB5];
	_ =	sdelay $0x3  }
0x34: {  	[smem:$0x3FB5] =	sst s10  }
0x35: {  	s10 =	sld [smem:$0x3FB4];
	_ =	sdelay $0x3  }
0x36: {  	p1 =	seq.s32 s10, $0x1;
	s10 =	sld [smem:$0x3FB5];
	_ =	sdelay $0x3  }
0x37: {  	[smem:$0x3FB5] =	sst s10  }
0x38: {  	s10 =	sld [smem:$0x3FB6]  }
0x39: {  	_ = 	snop;
	(pc) =	sbr.ind lr, $3  }
0x3a: {  	_ = 	snop  }
0x3b: {  	_ = 	snop  }
0x3c: {  	p2 =	seq.s32 s10, $0x1;
	s10 =	sld [smem:$0x3FB5]  }
0x3d: {  	_ =	shalt  }
0x3e: {  	_ =	shalt  }
0x3f: {  	_ =	shalt  }
0x40: {  	_ =	shalt  }
0x41: {  	_ =	shalt  }
0x42: {  	_ =	shalt  }
0x43: {  	_ =	shalt  }
0x44: {  	_ =	shalt  }
0x45: {  	_ =	shalt  }
0x46: {  	_ =	shalt  }
0x47: {  	_ =	shalt  }
0x48: {  	_ =	shalt  }
0x49: {  	_ =	shalt  }
0x4a: {  	_ =	shalt  }
0x4b: {  	_ =	shalt  }
0x4c: {  	_ =	shalt  }
0x4d: {  	_ =	shalt  }
0x4e: {  	_ =	shalt  }
0x4f: {  	_ =	shalt  }
0x50: {  	_ =	shalt  }
0x51: {  	_ =	shalt  }
0x52: {  	_ =	shalt  }
0x53: {  	_ =	shalt  }
0x54: {  	_ =	shalt  }
0x55: {  	_ =	shalt  }
0x56: {  	_ =	shalt  }
0x57: {  	_ =	shalt  }
0x58: {  	_ =	shalt  }
0x59: {  	_ =	shalt  }
0x5a: {  	_ =	shalt  }
0x5b: {  	_ =	shalt  }
0x5c: {  	_ =	shalt  }
0x5d: {  	_ =	shalt  }
0x5e: {  	_ =	shalt  }
0x5f: {  	_ =	shalt  }
0x60: {  	_ =	shalt  }
0x61: {  	_ =	shalt  }
0x62: {  	_ =	shalt  }
0x63: {  	_ =	shalt  }
0x64: {  	_ =	shalt  }
0x65: {  	_ =	shalt  }
0x66: {  	_ =	shalt  }
0x67: {  	_ =	shalt  }
0x68: {  	_ =	shalt  }
0x69: {  	_ =	shalt  }
0x6a: {  	_ =	shalt  }
0x6b: {  	_ =	shalt  }
0x6c: {  	_ =	shalt  }
0x6d: {  	_ =	shalt  }
0x6e: {  	_ =	shalt  }
0x6f: {  	_ =	shalt  }
0x70: {  	_ =	shalt  }
0x71: {  	_ =	shalt  }
0x72: {  	_ =	shalt  }
0x73: {  	_ =	shalt  }
0x74: {  	_ =	shalt  }
0x75: {  	_ =	shalt  }
0x76: {  	_ =	shalt  }
0x77: {  	_ =	shalt  }
0x78: {  	_ =	shalt  }
0x79: {  	_ =	shalt  }
0x7a: {  	_ =	shalt  }
0x7b: {  	_ =	shalt  }
0x7c: {  	_ =	shalt  }
0x7d: {  	_ =	shalt  }
0x7e: {  	_ =	shalt  }
0x7f: {  	_ =	shalt  }
0x80: {  	_ =	shalt  }
0x81: {  	_ =	shalt  }
0x82: {  	_ =	shalt  }
0x83: {  	_ =	shalt  }
0x84: {  	_ =	shalt  }
0x85: {  	_ =	shalt  }
0x86: {  	_ =	shalt  }
0x87: {  	_ =	shalt  }
.Lfunc_end0:
.L_simem_size_0:
called_computation_lowered:
.L_overlay_start_0:
0x88: {  	s2 =	sld [smem:$0x3FD9]  }
0x89: {  	s3 =	sld [smem:$0x3FFE];
	_ =	sdelay $0x1  }
0x8a: {  	s1 =	srdreg.scid  }
0x8b: {  	s0 =	sand.u32 $0x1, s1  }
0x8c: {  	s17 =	sshll.u32 s0, $0xA;
	s2 =	sadd.s32 s3, s2  }
0x8d: {  	s2 =	sadd.s32 s2, s17  }
0x8e: {  	[smem:$0x3FC1] =	sst s2  }
0x8f: {  	_ = 	snop  }
0x90: {  	s2 =	sld [smem:$0x3FC9]  }
0x91: {  	s18 =	sld [smem:$0x3FC8]  }
0x92: {  	s4 =	sld [smem:$0x3FC7]  }
0x93: {  	s5 =	sld [smem:$0x3FD0];
	(tm) =	ssettm $0x1  }
0x94: {  	s6 =	sld [smem:$0x3FFB];
	_ =	sdelay $0x3  }
0x95: {  	_ =	strace s6  }
0x96: {  	s6 =	sld [smem:$0x3FFC];
	_ =	sdelay $0x3  }
0x97: {  	_ =	strace s6  }
0x98: {  	s6 =	sld [smem:$0x3FFD];
	_ =	sdelay $0x3  }
0x99: {  	_ =	strace s6  }
0x9a: {  	_ =	strace $0x8FFFFFFF  }
0x9b: {  	s19 =	sld [smem:$0x3FDB];
	_ =	sdelay $0x1  }
0x9c: {  	s7 =	simm.s32 $_scs_section_size  }
0x9d: {  	s8 =	simm.s32 $_size__tile_overlayer_lowered;
	s9 =	simm.s32 $_tile_overlayer_lowered  }
0x9e: {  	s22 =	simm.s32 $0x1BFF;
	s21 =	sshll.u32 s9, $0x1;
	s6 =	sadd.s32 s7, s19  }
0x9f: {  	s10 =	simm.s32 $0x0;
	s20 =	sshll.u32 s8, $0x1;
	s8 =	sadd.s32 s21, s6  }
0xa0: {  	[timem:s10], [sflag:s22] =	dma.local [hbm:s8], s20  }
0xa1: {  	_ =	swait.ge [sflag:s22], s20  }
0xa2: {  	s7 =	ssub.s32 $0x0, s20;
	[sflag:s22] =	ssyncset.done $0x0  }
0xa3: {  	[sflag:s22] =	ssyncadd.s32 s7;
	_ =	sdelay $0x1  }
0xa4: {  	s23 =	simm.s32 $0x1B8B  }
0xa5: {  	_ =	swait.ge [sflag:s23], $0x1  }
0xa6: {  	[sflag:s23] =	ssyncset.done $0x0  }
0xa7: {  	s25 =	simm.s32 $0x1B8E;
	s24 =	sld [smem:$0x3FFE];
	[sflag:s23] =	ssyncadd.s32 $0xFFFFFFFF  }
0xa8: {  	s26 =	simm.s32 $execute0_lowered;
	[smem:$0x3FD2] =	sst s25  }
0xa9: {  	s8 =	sshll.u32 s26, $0x1;
	_ =	strace $0x80000046;
	[dreg:$0x1] =	wrdreg $0xFFFFFFFF  }
0xaa: {  	s28 =	simm.s32 $_size_execute0_lowered;
	s6 =	sadd.s32 s6, s8;
	[dreg:$0x0] =	wrdreg $0x0  }
0xab: {  	s8 =	sshll.u32 s28, $0x1;
	[dreg:$0x2] =	wrdreg s6  }
0xac: {  	[dreg:$0x3] =	wrdreg s8  }
0xad: {  	[dreg:$0x4] =	wrdreg $0xC0  }
0xae: {  	_ =	task [dreg:s10], $0x5FFFF  }
0xaf: {  	[dreg:$0x1] =	wrdreg $0xFFFFFFFF  }
0xb0: {  	[dreg:$0x0] =	wrdreg $0x60  }
0xb1: {  	[dreg:$0x2] =	wrdreg s2  }
0xb2: {  	[dreg:$0x3] =	wrdreg s18  }
0xb3: {  	[dreg:$0x4] =	wrdreg s4  }
0xb4: {  	[dreg:$0x5] =	wrdreg s24  }
0xb5: {  	[dreg:$0x6] =	wrdreg s5  }
0xb6: {  	[dreg:$0x7] =	wrdreg $0x9  }
0xb7: {  	_ =	task.clear_ibuf [dreg:s10], $0x8FFFF;
	_ =	strace $0x90000046  }
0xb8: {  	s29 =	simm.s32 $0x9;
	_ =	strace $0x80000048  }
0xb9: {  	_ =	swait.ge [sflag:s29], $0x1  }
0xba: {  	[sflag:s29] =	ssyncadd.s32 $0xFFFFFFFF  }
0xbb: {  	_ =	strace $0x90000048  }
0xbc: {  	_ =	sfence  }
0xbd: {  	s30 =	sld [smem:$0x0];
	_ =	sdelay $0x2  }
0xbe: {  	s31 =	sshll.u32 s1, $0xD;
	s1 =	sshrl.u32 s1, $0x2  }
0xbf: {  	s3 =	sand.u32 $0x4000, s31;
	s1 =	sadd.s32 s1, s30  }
0xc0: {  	s0 =	sor.u32 s3, s0;
	s1 =	sshll.u32 s1, $0x11  }
0xc1: {  	s0 =	sor.u32 s1, s0  }
0xc2: {  	s0 =	sadd.s32 $0x8F2B, s0  }
0xc3: {  	[sflag:s0] =	ssyncadd.remote.s32 $0x1  }
0xc4: {  	_ =	sfence.sel $0xFFFF  }
0xc5: {  	[dreg:$0x0] =	wrdreg $0xFFFFFFFF;
	(pc) =	sbr.abs _section_cstart, $3  }
0xc6: {  	[dreg:$0x1] =	wrdreg $0xFFFFFFFF  }
0xc7: {  	_ =	task.clear_ibuf [dreg:s10], $0x2FFFF;
	_ =	strace $0x9FFFFFFF  }
0xc8: {  	(tm) =	ssettm $0x7FFFFFFF  }
0xc9: {  	_ =	shalt  }
tec
execute0_lowered:
.L_overlay_start_1:
0x0: {  	(tag) =	ssettag $0x1  }
0x1: {  	s7 =	rddreg [dreg:$0x0]  }
0x2: {  	s8 =	rddreg [dreg:$0x1]  }
0x3: {  	s9 =	rddreg [dreg:$0x2]  }
0x4: {  	s6 =	rddreg [dreg:$0x3]  }
0x5: {  	s10 =	rddreg [dreg:$0x4]  }
0x6: {  	s0 =	rddreg [dreg:$0x5];
	s1 =	simm.s32 $0x0;
	s5 =	srdreg.scid  }
0x7: {  	s2 =	stileid.u32;
	s15 =	simm.s32 $0x600;
	s16 =	simm.s32 $0x4600  }
0x8: {  	s17 =	simm.s32 $0x8600;
	s18 =	simm.s32 $0xC600;
	s19 =	simm.s32 $0x1  }
0x9: {  	s20 =	simm.s32 $0x2;
	s21 =	simm.s32 $0x3;
	s22 =	simm.s32 $0x4  }
0xa: {  	v0 =	vlaneseq.u32;
	s23 =	simm.s32 $0x10600;
	s24 =	simm.s32 $0x10700;
	s25 =	simm.s32 $0x0  }
0xb: {  	[smem:$0x7FF] =	sst s1;
	s3 =	sadd.s32 $0x187000, s6;
	s4 =	sadd.s32 $0x16E3E00, s6;
	v0 =	vmul.u32 $0x10, v0  }
0xc: {  	s5 =	sand.u32 $0x1, s5;
	s12 =	sshll.u32 s2, $0x7;
	_ =	strace $0x80000047  }
0xd: {  	s11 =	ssub.s32 $0x2, s5;
	s13 =	sshll.u32 s5, $0x6;
	s5 =	sadd.s32 $0x1313400, s6;
	v1 =	vor.u32 $0x1, v0;
	v2 =	vor.u32 $0x2, v0;
	v3 =	vor.u32 $0x3, v0  }
0xe: {  	s6 =	sadd.s32 $0xF42A00, s6;
	s14 =	sshrl.u32 s11, $0x1;
	s12 =	sor.u32 s13, s12;
	v4 =	vor.u32 $0x4, v0;
	v5 =	vor.u32 $0x5, v0;
	v6 =	vor.u32 $0x6, v0  }
0xf: {  	s13 =	simm.s32 $0x200;
	v7 =	vor.u32 $0x7, v0;
	v8 =	vor.u32 $0x8, v0;
	v9 =	vor.u32 $0x9, v0;
	s11 =	ssub.s32 s11, s14;
	s7 =	sadd.s32 s7, s12  }
0x10: {  	v10 =	vor.u32 $0xA, v0;
	v11 =	vor.u32 $0xB, v0;
	v12 =	vor.u32 $0xC, v0;
	s8 =	sadd.s32 s8, s12;
	s9 =	sadd.s32 s9, s12;
	s10 =	sadd.s32 s10, s12  }
0x11: {  	v13 =	vor.u32 $0xD, v0;
	v14 =	vor.u32 $0xE, v0;
	v15 =	vor.u32 $0xF, v0;
	s12 =	simm.s32 $0x5;
	s14 =	simm.s32 $0x400;
	s11 =	smax.u32 s11, $0x1  }
.LBB2_1:
0x12: {  	[tilespmem:s1], [sflag:$0x5] =	stream.linear.gather [hbm4b:s7+s1], $0x200, $0x38;
	[tilespmem:$0x10900] =	vst v63  }
0x13: {  	_ =	swait.ge [sflag:s12], $0x200  }
0x14: {  	[sflag:s12] =	ssyncset.done $0x0  }
0x15: {  	[sflag:s12] =	ssyncadd.s32 $0xFFFFFE00  }
0x16: {  	[tilespmem:s13], [sflag:$0x5] =	stream.linear.gather [hbm4b:s8+s1], $0x200, $0x38;
	[tilespmem:$0x10900] =	vst v63  }
0x17: {  	_ =	swait.ge [sflag:s12], $0x200  }
0x18: {  	[sflag:s12] =	ssyncset.done $0x0  }
0x19: {  	[sflag:s12] =	ssyncadd.s32 $0xFFFFFE00  }
0x1a: {  	[tilespmem:s14], [sflag:$0x5] =	stream.linear.gather [hbm4b:s9+s1], $0x200, $0x38;
	[tilespmem:$0x10900] =	vst v63  }
0x1b: {  	_ =	swait.ge [sflag:s12], $0x200  }
0x1c: {  	[sflag:s12] =	ssyncset.done $0x0  }
0x1d: {  	[sflag:s12] =	ssyncadd.s32 $0xFFFFFE00  }
0x1e: {  	[tilespmem:s15], [sflag:$0x1] =	stream.indirect.gather [hbm4b:s3+s13], $0x20, s1, s13, $0xb8;
	[tilespmem:$0x10900] =	vst v63  }
0x1f: {  	_ = 	snop  }
0x20: {  	[tilespmem:s16], [sflag:$0x2] =	stream.indirect.gather [hbm4b:s4+s13], $0x20, s14, s13, $0xb8;
	[tilespmem:$0x10900] =	vst v63  }
0x21: {  	_ = 	snop  }
0x22: {  	[tilespmem:s17], [sflag:$0x3] =	stream.indirect.gather [hbm4b:s5+s13], $0x20, s14, s13, $0xb8;
	[tilespmem:$0x10900] =	vst v63  }
0x23: {  	_ = 	snop  }
0x24: {  	[tilespmem:s18], [sflag:$0x4] =	stream.indirect.gather [hbm4b:s6+s13], $0x20, s13, s13, $0xb8;
	[tilespmem:$0x10900] =	vst v63  }
0x25: {  	_ =	swait.ge [sflag:s19], $0x4000  }
0x26: {  	[sflag:s19] =	ssyncset.done $0x0  }
0x27: {  	[sflag:s19] =	ssyncadd.s32 $0xFFFFC000  }
0x28: {  	_ =	swait.ge [sflag:s20], $0x4000  }
0x29: {  	[sflag:s20] =	ssyncset.done $0x0  }
0x2a: {  	[sflag:s20] =	ssyncadd.s32 $0xFFFFC000  }
0x2b: {  	_ =	swait.ge [sflag:s21], $0x4000  }
0x2c: {  	[sflag:s21] =	ssyncset.done $0x0  }
0x2d: {  	[sflag:s21] =	ssyncadd.s32 $0xFFFFC000  }
0x2e: {  	_ =	swait.ge [sflag:s22], $0x4000  }
0x2f: {  	[sflag:s22] =	ssyncset.done $0x0  }
0x30: {  	s26 =	simm.s32 $0x0;
	[sflag:s22] =	ssyncadd.s32 $0xFFFFC000  }
0x31: {  	v16 =	vld [tilespmem:s26+$0x4610]  }
0x32: {  	v17 =	vld [tilespmem:s26+$0x600]  }
0x33: {  	v18 =	vld [tilespmem:s26+$0x610]  }
0x34: {  	v19 =	vld [tilespmem:s26+$0x4600]  }
0x35: {  	v20 =	vld [tilespmem:s26+$0x8600]  }
0x36: {  	v21 =	vld [tilespmem:s26+$0xC600]  }
0x37: {  	v22 =	vld [tilespmem:s26+$0x8610]  }
0x38: {  	v23 =	vld [tilespmem:s26+$0xC610]  }
0x39: {  	v16 =	vmul.f32 v16, v18;
	v17 =	vmul.f32 v19, v17;
	_ =	sdelay $0x1  }
0x3a: {  	v16 =	vadd.f32 v16, v17;
	v17 =	vmul.f32 v20, v21;
	_ =	sdelay $0x1  }
0x3b: {  	v16 =	vadd.f32 v17, v16;
	v17 =	vmul.f32 v22, v23;
	_ =	sdelay $0x1  }
0x3c: {  	v16 =	vadd.f32 v17, v16;
	_ =	sdelay $0x1  }
0x3d: {  	[tilespmem:v0+s23+$0x0] =	vst.idx.msk $0xffff, v16  }
0x3e: {  	v16 =	vld [tilespmem:s26+$0x620]  }
0x3f: {  	v17 =	vld [tilespmem:s26+$0x4620]  }
0x40: {  	v18 =	vld [tilespmem:s26+$0x630]  }
0x41: {  	v19 =	vld [tilespmem:s26+$0x4630]  }
0x42: {  	v20 =	vld [tilespmem:s26+$0x8620]  }
0x43: {  	v62 =	vld [tilespmem:s26+$0xC620]  }
0x44: {  	v63 =	vld [tilespmem:s26+$0x8630]  }
0x45: {  	v24 =	vld [tilespmem:s26+$0xC630]  }
0x46: {  	v16 =	vmul.f32 v17, v16;
	v17 =	vmul.f32 v19, v18;
	_ =	sdelay $0x1  }
0x47: {  	v16 =	vadd.f32 v17, v16;
	v17 =	vmul.f32 v20, v62;
	_ =	sdelay $0x1  }
0x48: {  	v16 =	vadd.f32 v17, v16;
	v17 =	vmul.f32 v63, v24;
	_ =	sdelay $0x1  }
0x49: {  	v16 =	vadd.f32 v17, v16;
	_ =	sdelay $0x1  }
0x4a: {  	[tilespmem:v1+s23+$0x0] =	vst.idx.msk $0xffff, v16  }
0x4b: {  	v16 =	vld [tilespmem:s26+$0x4650]  }
0x4c: {  	v17 =	vld [tilespmem:s26+$0x640]  }
0x4d: {  	v18 =	vld [tilespmem:s26+$0x4640]  }
0x4e: {  	v19 =	vld [tilespmem:s26+$0x650]  }
0x4f: {  	v20 =	vld [tilespmem:s26+$0x8640]  }
0x50: {  	v25 =	vld [tilespmem:s26+$0xC640]  }
0x51: {  	v26 =	vld [tilespmem:s26+$0x8650]  }
0x52: {  	v27 =	vld [tilespmem:s26+$0xC650]  }
0x53: {  	v17 =	vmul.f32 v18, v17;
	v16 =	vmul.f32 v16, v19;
	_ =	sdelay $0x1  }
0x54: {  	v16 =	vadd.f32 v16, v17;
	v17 =	vmul.f32 v20, v25;
	_ =	sdelay $0x1  }
0x55: {  	v16 =	vadd.f32 v17, v16;
	v17 =	vmul.f32 v26, v27;
	_ =	sdelay $0x1  }
0x56: {  	v16 =	vadd.f32 v17, v16;
	_ =	sdelay $0x1  }
0x57: {  	[tilespmem:v2+s23+$0x0] =	vst.idx.msk $0xffff, v16  }
0x58: {  	v16 =	vld [tilespmem:s26+$0x4670]  }
0x59: {  	v17 =	vld [tilespmem:s26+$0x660]  }
0x5a: {  	v18 =	vld [tilespmem:s26+$0x4660]  }
0x5b: {  	v19 =	vld [tilespmem:s26+$0x670]  }
0x5c: {  	v20 =	vld [tilespmem:s26+$0xC660]  }
0x5d: {  	v28 =	vld [tilespmem:s26+$0x8660]  }
0x5e: {  	v29 =	vld [tilespmem:s26+$0x8670]  }
0x5f: {  	v30 =	vld [tilespmem:s26+$0xC670]  }
0x60: {  	v17 =	vmul.f32 v18, v17;
	v16 =	vmul.f32 v16, v19;
	_ =	sdelay $0x1  }
0x61: {  	v16 =	vadd.f32 v16, v17;
	v17 =	vmul.f32 v28, v20;
	_ =	sdelay $0x1  }
0x62: {  	v16 =	vadd.f32 v17, v16;
	v17 =	vmul.f32 v29, v30;
	_ =	sdelay $0x1  }
0x63: {  	v16 =	vadd.f32 v17, v16;
	_ =	sdelay $0x1  }
0x64: {  	[tilespmem:v3+s23+$0x0] =	vst.idx.msk $0xffff, v16  }
0x65: {  	v16 =	vld [tilespmem:s26+$0x4680]  }
0x66: {  	v17 =	vld [tilespmem:s26+$0x4690]  }
0x67: {  	v18 =	vld [tilespmem:s26+$0x680]  }
0x68: {  	v19 =	vld [tilespmem:s26+$0x690]  }
0x69: {  	v20 =	vld [tilespmem:s26+$0xC680]  }
0x6a: {  	v31 =	vld [tilespmem:s26+$0x8680]  }
0x6b: {  	v32 =	vld [tilespmem:s26+$0x8690]  }
0x6c: {  	v33 =	vld [tilespmem:s26+$0xC690]  }
0x6d: {  	v16 =	vmul.f32 v16, v18;
	v17 =	vmul.f32 v17, v19;
	_ =	sdelay $0x1  }
0x6e: {  	v16 =	vadd.f32 v17, v16;
	v17 =	vmul.f32 v31, v20;
	_ =	sdelay $0x1  }
0x6f: {  	v16 =	vadd.f32 v17, v16;
	v17 =	vmul.f32 v32, v33;
	_ =	sdelay $0x1  }
0x70: {  	v16 =	vadd.f32 v17, v16;
	_ =	sdelay $0x1  }
0x71: {  	[tilespmem:v4+s23+$0x0] =	vst.idx.msk $0xffff, v16  }
0x72: {  	v16 =	vld [tilespmem:s26+$0x46A0]  }
0x73: {  	v17 =	vld [tilespmem:s26+$0x46B0]  }
0x74: {  	v18 =	vld [tilespmem:s26+$0x6A0]  }
0x75: {  	v19 =	vld [tilespmem:s26+$0x6B0]  }
0x76: {  	v20 =	vld [tilespmem:s26+$0xC6A0]  }
0x77: {  	v34 =	vld [tilespmem:s26+$0x86A0]  }
0x78: {  	v35 =	vld [tilespmem:s26+$0x86B0]  }
0x79: {  	v36 =	vld [tilespmem:s26+$0xC6B0]  }
0x7a: {  	v16 =	vmul.f32 v16, v18;
	v17 =	vmul.f32 v17, v19;
	_ =	sdelay $0x1  }
0x7b: {  	v16 =	vadd.f32 v17, v16;
	v17 =	vmul.f32 v34, v20;
	_ =	sdelay $0x1  }
0x7c: {  	v16 =	vadd.f32 v17, v16;
	v17 =	vmul.f32 v35, v36;
	_ =	sdelay $0x1  }
0x7d: {  	v16 =	vadd.f32 v17, v16;
	_ =	sdelay $0x1  }
0x7e: {  	[tilespmem:v5+s23+$0x0] =	vst.idx.msk $0xffff, v16  }
0x7f: {  	v16 =	vld [tilespmem:s26+$0x46C0]  }
0x80: {  	v17 =	vld [tilespmem:s26+$0x46D0]  }
0x81: {  	v18 =	vld [tilespmem:s26+$0x6D0]  }
0x82: {  	v19 =	vld [tilespmem:s26+$0x6C0]  }
0x83: {  	v20 =	vld [tilespmem:s26+$0x86C0]  }
0x84: {  	v37 =	vld [tilespmem:s26+$0xC6C0]  }
0x85: {  	v38 =	vld [tilespmem:s26+$0x86D0]  }
0x86: {  	v39 =	vld [tilespmem:s26+$0xC6D0]  }
0x87: {  	v17 =	vmul.f32 v17, v18;
	v16 =	vmul.f32 v16, v19;
	_ =	sdelay $0x1  }
0x88: {  	v16 =	vadd.f32 v17, v16;
	v17 =	vmul.f32 v20, v37;
	_ =	sdelay $0x1  }
0x89: {  	v16 =	vadd.f32 v17, v16;
	v17 =	vmul.f32 v38, v39;
	_ =	sdelay $0x1  }
0x8a: {  	v16 =	vadd.f32 v17, v16;
	_ =	sdelay $0x1  }
0x8b: {  	[tilespmem:v6+s23+$0x0] =	vst.idx.msk $0xffff, v16  }
0x8c: {  	v16 =	vld [tilespmem:s26+$0x6E0]  }
0x8d: {  	v17 =	vld [tilespmem:s26+$0x46E0]  }
0x8e: {  	v18 =	vld [tilespmem:s26+$0x46F0]  }
0x8f: {  	v19 =	vld [tilespmem:s26+$0x6F0]  }
0x90: {  	v20 =	vld [tilespmem:s26+$0x86E0]  }
0x91: {  	v40 =	vld [tilespmem:s26+$0xC6E0]  }
0x92: {  	v41 =	vld [tilespmem:s26+$0x86F0]  }
0x93: {  	v42 =	vld [tilespmem:s26+$0xC6F0]  }
0x94: {  	v16 =	vmul.f32 v17, v16;
	v17 =	vmul.f32 v18, v19;
	_ =	sdelay $0x1  }
0x95: {  	v16 =	vadd.f32 v17, v16;
	v17 =	vmul.f32 v20, v40;
	_ =	sdelay $0x1  }
0x96: {  	v16 =	vadd.f32 v17, v16;
	v17 =	vmul.f32 v41, v42;
	_ =	sdelay $0x1  }
0x97: {  	v16 =	vadd.f32 v17, v16;
	_ =	sdelay $0x1  }
0x98: {  	[tilespmem:v7+s23+$0x0] =	vst.idx.msk $0xffff, v16  }
0x99: {  	v16 =	vld [tilespmem:s26+$0x4700]  }
0x9a: {  	v17 =	vld [tilespmem:s26+$0x4710]  }
0x9b: {  	v18 =	vld [tilespmem:s26+$0x700]  }
0x9c: {  	v19 =	vld [tilespmem:s26+$0x710]  }
0x9d: {  	v20 =	vld [tilespmem:s26+$0x8700]  }
0x9e: {  	v43 =	vld [tilespmem:s26+$0xC700]  }
0x9f: {  	v44 =	vld [tilespmem:s26+$0x8710]  }
0xa0: {  	v45 =	vld [tilespmem:s26+$0xC710]  }
0xa1: {  	v16 =	vmul.f32 v16, v18;
	v17 =	vmul.f32 v17, v19;
	_ =	sdelay $0x1  }
0xa2: {  	v16 =	vadd.f32 v17, v16;
	v17 =	vmul.f32 v20, v43;
	_ =	sdelay $0x1  }
0xa3: {  	v16 =	vadd.f32 v17, v16;
	v17 =	vmul.f32 v44, v45;
	_ =	sdelay $0x1  }
0xa4: {  	v16 =	vadd.f32 v17, v16;
	_ =	sdelay $0x1  }
0xa5: {  	[tilespmem:v8+s23+$0x0] =	vst.idx.msk $0xffff, v16  }
0xa6: {  	v16 =	vld [tilespmem:s26+$0x4720]  }
0xa7: {  	v17 =	vld [tilespmem:s26+$0x4730]  }
0xa8: {  	v18 =	vld [tilespmem:s26+$0x730]  }
0xa9: {  	v19 =	vld [tilespmem:s26+$0x720]  }
0xaa: {  	v20 =	vld [tilespmem:s26+$0xC720]  }
0xab: {  	v46 =	vld [tilespmem:s26+$0x8720]  }
0xac: {  	v47 =	vld [tilespmem:s26+$0xC730]  }
0xad: {  	v48 =	vld [tilespmem:s26+$0x8730]  }
0xae: {  	v17 =	vmul.f32 v17, v18;
	v16 =	vmul.f32 v16, v19;
	_ =	sdelay $0x1  }
0xaf: {  	v16 =	vadd.f32 v17, v16;
	v17 =	vmul.f32 v46, v20;
	_ =	sdelay $0x1  }
0xb0: {  	v16 =	vadd.f32 v17, v16;
	v17 =	vmul.f32 v48, v47;
	_ =	sdelay $0x1  }
0xb1: {  	v16 =	vadd.f32 v17, v16;
	_ =	sdelay $0x1  }
0xb2: {  	[tilespmem:v9+s23+$0x0] =	vst.idx.msk $0xffff, v16  }
0xb3: {  	v16 =	vld [tilespmem:s26+$0x4750]  }
0xb4: {  	v17 =	vld [tilespmem:s26+$0x4740]  }
0xb5: {  	v18 =	vld [tilespmem:s26+$0x740]  }
0xb6: {  	v19 =	vld [tilespmem:s26+$0x750]  }
0xb7: {  	v20 =	vld [tilespmem:s26+$0xC740]  }
0xb8: {  	v49 =	vld [tilespmem:s26+$0x8740]  }
0xb9: {  	v50 =	vld [tilespmem:s26+$0xC750]  }
0xba: {  	v51 =	vld [tilespmem:s26+$0x8750]  }
0xbb: {  	v17 =	vmul.f32 v17, v18;
	v16 =	vmul.f32 v16, v19;
	_ =	sdelay $0x1  }
0xbc: {  	v16 =	vadd.f32 v16, v17;
	v17 =	vmul.f32 v49, v20;
	_ =	sdelay $0x1  }
0xbd: {  	v16 =	vadd.f32 v17, v16;
	v17 =	vmul.f32 v51, v50;
	_ =	sdelay $0x1  }
0xbe: {  	v16 =	vadd.f32 v17, v16;
	_ =	sdelay $0x1  }
0xbf: {  	[tilespmem:v10+s23+$0x0] =	vst.idx.msk $0xffff, v16  }
0xc0: {  	v16 =	vld [tilespmem:s26+$0x4760]  }
0xc1: {  	v17 =	vld [tilespmem:s26+$0x4770]  }
0xc2: {  	v18 =	vld [tilespmem:s26+$0x760]  }
0xc3: {  	v19 =	vld [tilespmem:s26+$0x770]  }
0xc4: {  	v20 =	vld [tilespmem:s26+$0xC760]  }
0xc5: {  	v52 =	vld [tilespmem:s26+$0x8760]  }
0xc6: {  	v53 =	vld [tilespmem:s26+$0xC770]  }
0xc7: {  	v54 =	vld [tilespmem:s26+$0x8770]  }
0xc8: {  	v16 =	vmul.f32 v16, v18;
	v17 =	vmul.f32 v17, v19;
	_ =	sdelay $0x1  }
0xc9: {  	v16 =	vadd.f32 v17, v16;
	v17 =	vmul.f32 v52, v20;
	_ =	sdelay $0x1  }
0xca: {  	v16 =	vadd.f32 v17, v16;
	v17 =	vmul.f32 v54, v53;
	_ =	sdelay $0x1  }
0xcb: {  	v16 =	vadd.f32 v17, v16;
	_ =	sdelay $0x1  }
0xcc: {  	[tilespmem:v11+s23+$0x0] =	vst.idx.msk $0xffff, v16  }
0xcd: {  	v16 =	vld [tilespmem:s26+$0x4780]  }
0xce: {  	v17 =	vld [tilespmem:s26+$0x4790]  }
0xcf: {  	v18 =	vld [tilespmem:s26+$0x780]  }
0xd0: {  	v19 =	vld [tilespmem:s26+$0x790]  }
0xd1: {  	v20 =	vld [tilespmem:s26+$0xC780]  }
0xd2: {  	v55 =	vld [tilespmem:s26+$0x8780]  }
0xd3: {  	v56 =	vld [tilespmem:s26+$0xC790]  }
0xd4: {  	v57 =	vld [tilespmem:s26+$0x8790]  }
0xd5: {  	v16 =	vmul.f32 v16, v18;
	v17 =	vmul.f32 v17, v19;
	_ =	sdelay $0x1  }
0xd6: {  	v16 =	vadd.f32 v17, v16;
	v17 =	vmul.f32 v55, v20;
	_ =	sdelay $0x1  }
0xd7: {  	v16 =	vadd.f32 v17, v16;
	v17 =	vmul.f32 v57, v56;
	_ =	sdelay $0x1  }
0xd8: {  	v16 =	vadd.f32 v17, v16;
	_ =	sdelay $0x1  }
0xd9: {  	[tilespmem:v12+s23+$0x0] =	vst.idx.msk $0xffff, v16  }
0xda: {  	v16 =	vld [tilespmem:s26+$0x47A0]  }
0xdb: {  	v17 =	vld [tilespmem:s26+$0x47B0]  }
0xdc: {  	v18 =	vld [tilespmem:s26+$0x7A0]  }
0xdd: {  	v19 =	vld [tilespmem:s26+$0x7B0]  }
0xde: {  	v20 =	vld [tilespmem:s26+$0xC7A0]  }
0xdf: {  	v58 =	vld [tilespmem:s26+$0x87A0]  }
0xe0: {  	v59 =	vld [tilespmem:s26+$0xC7B0]  }
0xe1: {  	v60 =	vld [tilespmem:s26+$0x87B0]  }
0xe2: {  	v16 =	vmul.f32 v16, v18;
	v17 =	vmul.f32 v17, v19;
	_ =	sdelay $0x1  }
0xe3: {  	v16 =	vadd.f32 v17, v16;
	v17 =	vmul.f32 v58, v20;
	_ =	sdelay $0x1  }
0xe4: {  	v16 =	vadd.f32 v17, v16;
	v17 =	vmul.f32 v60, v59;
	_ =	sdelay $0x1  }
0xe5: {  	v16 =	vadd.f32 v17, v16;
	_ =	sdelay $0x1  }
0xe6: {  	[tilespmem:v13+s23+$0x0] =	vst.idx.msk $0xffff, v16  }
0xe7: {  	v16 =	vld [tilespmem:s26+$0x47C0]  }
0xe8: {  	v17 =	vld [tilespmem:s26+$0x47D0]  }
0xe9: {  	v18 =	vld [tilespmem:s26+$0x7C0]  }
0xea: {  	v19 =	vld [tilespmem:s26+$0x7D0]  }
0xeb: {  	v20 =	vld [tilespmem:s26+$0xC7C0]  }
0xec: {  	v61 =	vld [tilespmem:s26+$0x87C0]  }
0xed: {  	v62 =	vld [tilespmem:s26+$0xC7D0]  }
0xee: {  	v63 =	vld [tilespmem:s26+$0x87D0]  }
0xef: {  	v16 =	vmul.f32 v16, v18;
	v17 =	vmul.f32 v17, v19;
	_ =	sdelay $0x1  }
0xf0: {  	v16 =	vadd.f32 v17, v16;
	v17 =	vmul.f32 v61, v20;
	_ =	sdelay $0x1  }
0xf1: {  	v16 =	vadd.f32 v17, v16;
	v17 =	vmul.f32 v63, v62;
	_ =	sdelay $0x1  }
0xf2: {  	v16 =	vadd.f32 v17, v16;
	_ =	sdelay $0x1  }
0xf3: {  	[tilespmem:v14+s23+$0x0] =	vst.idx.msk $0xffff, v16  }
0xf4: {  	v16 =	vld [tilespmem:s26+$0x47E0]  }
0xf5: {  	v18 =	vld [tilespmem:s26+$0x7E0]  }
0xf6: {  	v17 =	vld [tilespmem:s26+$0x47F0]  }
0xf7: {  	s29 =	simm.s32 $0x800;
	s30 =	simm.s32 $0x10700;
	s28 =	simm.s32 $0x10700;
	v19 =	vld [tilespmem:s26+$0x7F0]  }
.LBB2_2:
0xf8: {  	p0 =	sne.s32 s29, $0xF800  }
0xf9: {  	v20 =	vld [tilespmem:s26+$0xC7E0];
	s30 =	sadd.s32 $0x10, s30;
	s31 =	smov.u32 s29;
	s29 =	sadd.s32 $0x800, s29  }
0xfa: {  	v21 =	vld [tilespmem:s26+$0x87E0]  }
0xfb: {  	v16 =	vmul.f32 v16, v18;
	v18 =	vld [tilespmem:s26+$0xC7F0]  }
0xfc: {  	v22 =	vld [tilespmem:s26+$0x87F0]  }
0xfd: {  	v17 =	vmul.f32 v17, v19;
	_ =	sdelay $0x1  }
0xfe: {  	v16 =	vadd.f32 v17, v16;
	v17 =	vmul.f32 v21, v20;
	_ =	sdelay $0x1  }
0xff: {  	v16 =	vadd.f32 v17, v16;
	v17 =	vmul.f32 v22, v18;
	_ =	sdelay $0x1  }
0x100: {  	v16 =	vadd.f32 v17, v16;
	_ =	sdelay $0x1  }
0x101: {  	[tilespmem:v15+s23+$0x0] =	vst.idx.msk $0xffff, v16  }
0x102: {  	v16 =	vld [tilespmem:$0x10600]  }
0x103: {  	v17 =	vld [tilespmem:$0x10610]  }
0x104: {  	v18 =	vld [tilespmem:$0x10620]  }
0x105: {  	v19 =	vld [tilespmem:$0x10630]  }
0x106: {  	v20 =	vld [tilespmem:$0x10640]  }
0x107: {  	v21 =	vld [tilespmem:$0x10650]  }
0x108: {  	v16 =	vadd.f32 v17, v16;
	v17 =	vld [tilespmem:$0x10660]  }
0x109: {  	v22 =	vld [tilespmem:$0x10670]  }
0x10a: {  	v16 =	vadd.f32 v18, v16;
	v18 =	vld [tilespmem:$0x10680]  }
0x10b: {  	v23 =	vld [tilespmem:$0x10690]  }
0x10c: {  	v16 =	vadd.f32 v19, v16;
	v19 =	vld [tilespmem:$0x106A0]  }
0x10d: {  	v24 =	vld [tilespmem:$0x106B0]  }
0x10e: {  	v16 =	vadd.f32 v20, v16;
	v20 =	vld [tilespmem:$0x106C0]  }
0x10f: {  	v25 =	vld [tilespmem:$0x106D0]  }
0x110: {  	v16 =	vadd.f32 v21, v16;
	v21 =	vld [tilespmem:$0x106E0]  }
0x111: {  	v26 =	vld [tilespmem:$0x106F0]  }
0x112: {  	v16 =	vadd.f32 v17, v16;
	_ =	sdelay $0x1  }
0x113: {  	v16 =	vadd.f32 v22, v16;
	_ =	sdelay $0x1  }
0x114: {  	v16 =	vadd.f32 v18, v16;
	_ =	sdelay $0x1  }
0x115: {  	v16 =	vadd.f32 v23, v16;
	_ =	sdelay $0x1  }
0x116: {  	v16 =	vadd.f32 v19, v16;
	_ =	sdelay $0x1  }
0x117: {  	v16 =	vadd.f32 v24, v16;
	_ =	sdelay $0x1  }
0x118: {  	v16 =	vadd.f32 v20, v16;
	_ =	sdelay $0x1  }
0x119: {  	v16 =	vadd.f32 v25, v16;
	_ =	sdelay $0x1  }
0x11a: {  	v16 =	vadd.f32 v21, v16;
	_ =	sdelay $0x1  }
0x11b: {  	v16 =	vadd.f32 v26, v16;
	_ =	sdelay $0x1  }
0x11c: {  	s26 =	sshra.s32 s31, $0x2;
	[tilespmem:s28+$0x0] =	vst v16;
	s28 =	smov.u32 s30  }
0x11d: {  	v16 =	vld [tilespmem:s26+$0x4610]  }
0x11e: {  	v17 =	vld [tilespmem:s26+$0x600]  }
0x11f: {  	v18 =	vld [tilespmem:s26+$0x610]  }
0x120: {  	v19 =	vld [tilespmem:s26+$0x4600]  }
0x121: {  	v20 =	vld [tilespmem:s26+$0x8600]  }
0x122: {  	v21 =	vld [tilespmem:s26+$0xC600]  }
0x123: {  	v22 =	vld [tilespmem:s26+$0x8610]  }
0x124: {  	v16 =	vmul.f32 v16, v18;
	v18 =	vld [tilespmem:s26+$0xC610]  }
0x125: {  	v17 =	vmul.f32 v19, v17;
	_ =	sdelay $0x1  }
0x126: {  	v16 =	vadd.f32 v16, v17;
	v17 =	vmul.f32 v20, v21;
	_ =	sdelay $0x1  }
0x127: {  	v16 =	vadd.f32 v17, v16;
	v17 =	vmul.f32 v22, v18;
	_ =	sdelay $0x1  }
0x128: {  	v16 =	vadd.f32 v17, v16;
	_ =	sdelay $0x1  }
0x129: {  	[tilespmem:v0+s23+$0x0] =	vst.idx.msk $0xffff, v16  }
0x12a: {  	v16 =	vld [tilespmem:s26+$0x620]  }
0x12b: {  	v17 =	vld [tilespmem:s26+$0x4620]  }
0x12c: {  	v18 =	vld [tilespmem:s26+$0x630]  }
0x12d: {  	v19 =	vld [tilespmem:s26+$0x4630]  }
0x12e: {  	v20 =	vld [tilespmem:s26+$0x8620]  }
0x12f: {  	v21 =	vld [tilespmem:s26+$0xC620]  }
0x130: {  	v16 =	vmul.f32 v17, v16;
	v17 =	vld [tilespmem:s26+$0x8630]  }
0x131: {  	v22 =	vld [tilespmem:s26+$0xC630]  }
0x132: {  	v18 =	vmul.f32 v19, v18;
	_ =	sdelay $0x1  }
0x133: {  	v16 =	vadd.f32 v18, v16;
	v18 =	vmul.f32 v20, v21;
	_ =	sdelay $0x1  }
0x134: {  	v16 =	vadd.f32 v18, v16;
	v17 =	vmul.f32 v17, v22;
	_ =	sdelay $0x1  }
0x135: {  	v16 =	vadd.f32 v17, v16;
	_ =	sdelay $0x1  }
0x136: {  	[tilespmem:v1+s23+$0x0] =	vst.idx.msk $0xffff, v16  }
0x137: {  	v16 =	vld [tilespmem:s26+$0x4650]  }
0x138: {  	v17 =	vld [tilespmem:s26+$0x640]  }
0x139: {  	v18 =	vld [tilespmem:s26+$0x4640]  }
0x13a: {  	v19 =	vld [tilespmem:s26+$0x650]  }
0x13b: {  	v20 =	vld [tilespmem:s26+$0x8640]  }
0x13c: {  	v21 =	vld [tilespmem:s26+$0xC640]  }
0x13d: {  	v22 =	vld [tilespmem:s26+$0x8650]  }
0x13e: {  	v17 =	vmul.f32 v18, v17;
	v18 =	vld [tilespmem:s26+$0xC650]  }
0x13f: {  	v16 =	vmul.f32 v16, v19;
	_ =	sdelay $0x1  }
0x140: {  	v16 =	vadd.f32 v16, v17;
	v17 =	vmul.f32 v20, v21;
	_ =	sdelay $0x1  }
0x141: {  	v16 =	vadd.f32 v17, v16;
	v17 =	vmul.f32 v22, v18;
	_ =	sdelay $0x1  }
0x142: {  	v16 =	vadd.f32 v17, v16;
	_ =	sdelay $0x1  }
0x143: {  	[tilespmem:v2+s23+$0x0] =	vst.idx.msk $0xffff, v16  }
0x144: {  	v16 =	vld [tilespmem:s26+$0x4670]  }
0x145: {  	v17 =	vld [tilespmem:s26+$0x660]  }
0x146: {  	v18 =	vld [tilespmem:s26+$0x4660]  }
0x147: {  	v19 =	vld [tilespmem:s26+$0x670]  }
0x148: {  	v20 =	vld [tilespmem:s26+$0xC660]  }
0x149: {  	v21 =	vld [tilespmem:s26+$0x8660]  }
0x14a: {  	v22 =	vld [tilespmem:s26+$0x8670]  }
0x14b: {  	v17 =	vmul.f32 v18, v17;
	v18 =	vld [tilespmem:s26+$0xC670]  }
0x14c: {  	v16 =	vmul.f32 v16, v19;
	_ =	sdelay $0x1  }
0x14d: {  	v16 =	vadd.f32 v16, v17;
	v17 =	vmul.f32 v21, v20;
	_ =	sdelay $0x1  }
0x14e: {  	v16 =	vadd.f32 v17, v16;
	v17 =	vmul.f32 v22, v18;
	_ =	sdelay $0x1  }
0x14f: {  	v16 =	vadd.f32 v17, v16;
	_ =	sdelay $0x1  }
0x150: {  	[tilespmem:v3+s23+$0x0] =	vst.idx.msk $0xffff, v16  }
0x151: {  	v16 =	vld [tilespmem:s26+$0x4680]  }
0x152: {  	v17 =	vld [tilespmem:s26+$0x4690]  }
0x153: {  	v18 =	vld [tilespmem:s26+$0x680]  }
0x154: {  	v19 =	vld [tilespmem:s26+$0x690]  }
0x155: {  	v20 =	vld [tilespmem:s26+$0xC680]  }
0x156: {  	v21 =	vld [tilespmem:s26+$0x8680]  }
0x157: {  	v22 =	vld [tilespmem:s26+$0x8690]  }
0x158: {  	v16 =	vmul.f32 v16, v18;
	v18 =	vld [tilespmem:s26+$0xC690]  }
0x159: {  	v17 =	vmul.f32 v17, v19;
	_ =	sdelay $0x1  }
0x15a: {  	v16 =	vadd.f32 v17, v16;
	v17 =	vmul.f32 v21, v20;
	_ =	sdelay $0x1  }
0x15b: {  	v16 =	vadd.f32 v17, v16;
	v17 =	vmul.f32 v22, v18;
	_ =	sdelay $0x1  }
0x15c: {  	v16 =	vadd.f32 v17, v16;
	_ =	sdelay $0x1  }
0x15d: {  	[tilespmem:v4+s23+$0x0] =	vst.idx.msk $0xffff, v16  }
0x15e: {  	v16 =	vld [tilespmem:s26+$0x46A0]  }
0x15f: {  	v17 =	vld [tilespmem:s26+$0x46B0]  }
0x160: {  	v18 =	vld [tilespmem:s26+$0x6A0]  }
0x161: {  	v19 =	vld [tilespmem:s26+$0x6B0]  }
0x162: {  	v20 =	vld [tilespmem:s26+$0xC6A0]  }
0x163: {  	v21 =	vld [tilespmem:s26+$0x86A0]  }
0x164: {  	v22 =	vld [tilespmem:s26+$0x86B0]  }
0x165: {  	v16 =	vmul.f32 v16, v18;
	v18 =	vld [tilespmem:s26+$0xC6B0]  }
0x166: {  	v17 =	vmul.f32 v17, v19;
	_ =	sdelay $0x1  }
0x167: {  	v16 =	vadd.f32 v17, v16;
	v17 =	vmul.f32 v21, v20;
	_ =	sdelay $0x1  }
0x168: {  	v16 =	vadd.f32 v17, v16;
	v17 =	vmul.f32 v22, v18;
	_ =	sdelay $0x1  }
0x169: {  	v16 =	vadd.f32 v17, v16;
	_ =	sdelay $0x1  }
0x16a: {  	[tilespmem:v5+s23+$0x0] =	vst.idx.msk $0xffff, v16  }
0x16b: {  	v16 =	vld [tilespmem:s26+$0x46C0]  }
0x16c: {  	v17 =	vld [tilespmem:s26+$0x46D0]  }
0x16d: {  	v18 =	vld [tilespmem:s26+$0x6D0]  }
0x16e: {  	v19 =	vld [tilespmem:s26+$0x6C0]  }
0x16f: {  	v20 =	vld [tilespmem:s26+$0x86C0]  }
0x170: {  	v21 =	vld [tilespmem:s26+$0xC6C0]  }
0x171: {  	v22 =	vld [tilespmem:s26+$0x86D0]  }
0x172: {  	v17 =	vmul.f32 v17, v18;
	v18 =	vld [tilespmem:s26+$0xC6D0]  }
0x173: {  	v16 =	vmul.f32 v16, v19;
	_ =	sdelay $0x1  }
0x174: {  	v16 =	vadd.f32 v17, v16;
	v17 =	vmul.f32 v20, v21;
	_ =	sdelay $0x1  }
0x175: {  	v16 =	vadd.f32 v17, v16;
	v17 =	vmul.f32 v22, v18;
	_ =	sdelay $0x1  }
0x176: {  	v16 =	vadd.f32 v17, v16;
	_ =	sdelay $0x1  }
0x177: {  	[tilespmem:v6+s23+$0x0] =	vst.idx.msk $0xffff, v16  }
0x178: {  	v16 =	vld [tilespmem:s26+$0x6E0]  }
0x179: {  	v17 =	vld [tilespmem:s26+$0x46E0]  }
0x17a: {  	v18 =	vld [tilespmem:s26+$0x46F0]  }
0x17b: {  	v19 =	vld [tilespmem:s26+$0x6F0]  }
0x17c: {  	v20 =	vld [tilespmem:s26+$0x86E0]  }
0x17d: {  	v21 =	vld [tilespmem:s26+$0xC6E0]  }
0x17e: {  	v16 =	vmul.f32 v17, v16;
	v17 =	vld [tilespmem:s26+$0x86F0]  }
0x17f: {  	v22 =	vld [tilespmem:s26+$0xC6F0]  }
0x180: {  	v18 =	vmul.f32 v18, v19;
	_ =	sdelay $0x1  }
0x181: {  	v16 =	vadd.f32 v18, v16;
	v18 =	vmul.f32 v20, v21;
	_ =	sdelay $0x1  }
0x182: {  	v16 =	vadd.f32 v18, v16;
	v17 =	vmul.f32 v17, v22;
	_ =	sdelay $0x1  }
0x183: {  	v16 =	vadd.f32 v17, v16;
	_ =	sdelay $0x1  }
0x184: {  	[tilespmem:v7+s23+$0x0] =	vst.idx.msk $0xffff, v16  }
0x185: {  	v16 =	vld [tilespmem:s26+$0x4700]  }
0x186: {  	v17 =	vld [tilespmem:s26+$0x4710]  }
0x187: {  	v18 =	vld [tilespmem:s26+$0x700]  }
0x188: {  	v19 =	vld [tilespmem:s26+$0x710]  }
0x189: {  	v20 =	vld [tilespmem:s26+$0x8700]  }
0x18a: {  	v21 =	vld [tilespmem:s26+$0xC700]  }
0x18b: {  	v22 =	vld [tilespmem:s26+$0x8710]  }
0x18c: {  	v16 =	vmul.f32 v16, v18;
	v18 =	vld [tilespmem:s26+$0xC710]  }
0x18d: {  	v17 =	vmul.f32 v17, v19;
	_ =	sdelay $0x1  }
0x18e: {  	v16 =	vadd.f32 v17, v16;
	v17 =	vmul.f32 v20, v21;
	_ =	sdelay $0x1  }
0x18f: {  	v16 =	vadd.f32 v17, v16;
	v17 =	vmul.f32 v22, v18;
	_ =	sdelay $0x1  }
0x190: {  	v16 =	vadd.f32 v17, v16;
	_ =	sdelay $0x1  }
0x191: {  	[tilespmem:v8+s23+$0x0] =	vst.idx.msk $0xffff, v16  }
0x192: {  	v16 =	vld [tilespmem:s26+$0x4720]  }
0x193: {  	v17 =	vld [tilespmem:s26+$0x4730]  }
0x194: {  	v18 =	vld [tilespmem:s26+$0x730]  }
0x195: {  	v19 =	vld [tilespmem:s26+$0x720]  }
0x196: {  	v20 =	vld [tilespmem:s26+$0xC720]  }
0x197: {  	v21 =	vld [tilespmem:s26+$0x8720]  }
0x198: {  	v22 =	vld [tilespmem:s26+$0xC730]  }
0x199: {  	v17 =	vmul.f32 v17, v18;
	v18 =	vld [tilespmem:s26+$0x8730]  }
0x19a: {  	v16 =	vmul.f32 v16, v19;
	_ =	sdelay $0x1  }
0x19b: {  	v16 =	vadd.f32 v17, v16;
	v17 =	vmul.f32 v21, v20;
	_ =	sdelay $0x1  }
0x19c: {  	v16 =	vadd.f32 v17, v16;
	v17 =	vmul.f32 v18, v22;
	_ =	sdelay $0x1  }
0x19d: {  	v16 =	vadd.f32 v17, v16;
	_ =	sdelay $0x1  }
0x19e: {  	[tilespmem:v9+s23+$0x0] =	vst.idx.msk $0xffff, v16  }
0x19f: {  	v16 =	vld [tilespmem:s26+$0x4750]  }
0x1a0: {  	v17 =	vld [tilespmem:s26+$0x4740]  }
0x1a1: {  	v18 =	vld [tilespmem:s26+$0x740]  }
0x1a2: {  	v19 =	vld [tilespmem:s26+$0x750]  }
0x1a3: {  	v20 =	vld [tilespmem:s26+$0xC740]  }
0x1a4: {  	v21 =	vld [tilespmem:s26+$0x8740]  }
0x1a5: {  	v22 =	vld [tilespmem:s26+$0xC750]  }
0x1a6: {  	v17 =	vmul.f32 v17, v18;
	v18 =	vld [tilespmem:s26+$0x8750]  }
0x1a7: {  	v16 =	vmul.f32 v16, v19;
	_ =	sdelay $0x1  }
0x1a8: {  	v16 =	vadd.f32 v16, v17;
	v17 =	vmul.f32 v21, v20;
	_ =	sdelay $0x1  }
0x1a9: {  	v16 =	vadd.f32 v17, v16;
	v17 =	vmul.f32 v18, v22;
	_ =	sdelay $0x1  }
0x1aa: {  	v16 =	vadd.f32 v17, v16;
	_ =	sdelay $0x1  }
0x1ab: {  	[tilespmem:v10+s23+$0x0] =	vst.idx.msk $0xffff, v16  }
0x1ac: {  	v16 =	vld [tilespmem:s26+$0x4760]  }
0x1ad: {  	v17 =	vld [tilespmem:s26+$0x4770]  }
0x1ae: {  	v18 =	vld [tilespmem:s26+$0x760]  }
0x1af: {  	v19 =	vld [tilespmem:s26+$0x770]  }
0x1b0: {  	v20 =	vld [tilespmem:s26+$0xC760]  }
0x1b1: {  	v21 =	vld [tilespmem:s26+$0x8760]  }
0x1b2: {  	v22 =	vld [tilespmem:s26+$0xC770]  }
0x1b3: {  	v16 =	vmul.f32 v16, v18;
	v18 =	vld [tilespmem:s26+$0x8770]  }
0x1b4: {  	v17 =	vmul.f32 v17, v19;
	_ =	sdelay $0x1  }
0x1b5: {  	v16 =	vadd.f32 v17, v16;
	v17 =	vmul.f32 v21, v20;
	_ =	sdelay $0x1  }
0x1b6: {  	v16 =	vadd.f32 v17, v16;
	v17 =	vmul.f32 v18, v22;
	_ =	sdelay $0x1  }
0x1b7: {  	v16 =	vadd.f32 v17, v16;
	_ =	sdelay $0x1  }
0x1b8: {  	[tilespmem:v11+s23+$0x0] =	vst.idx.msk $0xffff, v16  }
0x1b9: {  	v16 =	vld [tilespmem:s26+$0x4780]  }
0x1ba: {  	v17 =	vld [tilespmem:s26+$0x4790]  }
0x1bb: {  	v18 =	vld [tilespmem:s26+$0x780]  }
0x1bc: {  	v19 =	vld [tilespmem:s26+$0x790]  }
0x1bd: {  	v20 =	vld [tilespmem:s26+$0xC780]  }
0x1be: {  	v21 =	vld [tilespmem:s26+$0x8780]  }
0x1bf: {  	v22 =	vld [tilespmem:s26+$0xC790]  }
0x1c0: {  	v16 =	vmul.f32 v16, v18;
	v18 =	vld [tilespmem:s26+$0x8790]  }
0x1c1: {  	v17 =	vmul.f32 v17, v19;
	_ =	sdelay $0x1  }
0x1c2: {  	v16 =	vadd.f32 v17, v16;
	v17 =	vmul.f32 v21, v20;
	_ =	sdelay $0x1  }
0x1c3: {  	v16 =	vadd.f32 v17, v16;
	v17 =	vmul.f32 v18, v22;
	_ =	sdelay $0x1  }
0x1c4: {  	v16 =	vadd.f32 v17, v16;
	_ =	sdelay $0x1  }
0x1c5: {  	[tilespmem:v12+s23+$0x0] =	vst.idx.msk $0xffff, v16  }
0x1c6: {  	v16 =	vld [tilespmem:s26+$0x47A0]  }
0x1c7: {  	v17 =	vld [tilespmem:s26+$0x47B0]  }
0x1c8: {  	v18 =	vld [tilespmem:s26+$0x7A0]  }
0x1c9: {  	v19 =	vld [tilespmem:s26+$0x7B0]  }
0x1ca: {  	v20 =	vld [tilespmem:s26+$0xC7A0]  }
0x1cb: {  	v21 =	vld [tilespmem:s26+$0x87A0]  }
0x1cc: {  	v22 =	vld [tilespmem:s26+$0xC7B0]  }
0x1cd: {  	v16 =	vmul.f32 v16, v18;
	v18 =	vld [tilespmem:s26+$0x87B0]  }
0x1ce: {  	v17 =	vmul.f32 v17, v19;
	_ =	sdelay $0x1  }
0x1cf: {  	v16 =	vadd.f32 v17, v16;
	v17 =	vmul.f32 v21, v20;
	_ =	sdelay $0x1  }
0x1d0: {  	v16 =	vadd.f32 v17, v16;
	v17 =	vmul.f32 v18, v22;
	_ =	sdelay $0x1  }
0x1d1: {  	v16 =	vadd.f32 v17, v16;
	_ =	sdelay $0x1  }
0x1d2: {  	[tilespmem:v13+s23+$0x0] =	vst.idx.msk $0xffff, v16  }
0x1d3: {  	v16 =	vld [tilespmem:s26+$0x47C0]  }
0x1d4: {  	v17 =	vld [tilespmem:s26+$0x47D0]  }
0x1d5: {  	v18 =	vld [tilespmem:s26+$0x7C0]  }
0x1d6: {  	v19 =	vld [tilespmem:s26+$0x7D0]  }
0x1d7: {  	v20 =	vld [tilespmem:s26+$0xC7C0]  }
0x1d8: {  	v21 =	vld [tilespmem:s26+$0x87C0]  }
0x1d9: {  	v22 =	vld [tilespmem:s26+$0xC7D0]  }
0x1da: {  	v16 =	vmul.f32 v16, v18;
	v18 =	vld [tilespmem:s26+$0x87D0]  }
0x1db: {  	v17 =	vmul.f32 v17, v19;
	_ =	sdelay $0x1  }
0x1dc: {  	v16 =	vadd.f32 v17, v16;
	v17 =	vmul.f32 v21, v20;
	_ =	sdelay $0x1  }
0x1dd: {  	v16 =	vadd.f32 v17, v16;
	v17 =	vmul.f32 v18, v22;
	_ =	sdelay $0x1  }
0x1de: {  	v16 =	vadd.f32 v17, v16;
	_ =	sdelay $0x1  }
.Ltmp0:
0x1df: {  	[tilespmem:v14+s23+$0x0] =	vst.idx.msk $0xffff, v16;
	(pc) =	sbr.rel @p0 .LBB2_2-.Ltmp0, $4  }
0x1e0: {  	v16 =	vld [tilespmem:s26+$0x47E0]  }
0x1e1: {  	v18 =	vld [tilespmem:s26+$0x7E0]  }
0x1e2: {  	v17 =	vld [tilespmem:s26+$0x47F0]  }
0x1e3: {  	v19 =	vld [tilespmem:s26+$0x7F0]  }
0x1e4: {  	v20 =	vld [tilespmem:s26+$0xC7E0]  }
0x1e5: {  	v21 =	vld [tilespmem:s26+$0x87E0]  }
0x1e6: {  	v22 =	vld [tilespmem:s26+$0xC7F0]  }
0x1e7: {  	v23 =	vld [tilespmem:s26+$0x87F0]  }
0x1e8: {  	v16 =	vmul.f32 v16, v18;
	v17 =	vmul.f32 v17, v19;
	_ =	sdelay $0x1  }
0x1e9: {  	v16 =	vadd.f32 v17, v16;
	v17 =	vmul.f32 v21, v20;
	_ =	sdelay $0x1  }
0x1ea: {  	v16 =	vadd.f32 v17, v16;
	v17 =	vmul.f32 v23, v22;
	_ =	sdelay $0x1  }
0x1eb: {  	v16 =	vadd.f32 v17, v16;
	_ =	sdelay $0x1  }
0x1ec: {  	[tilespmem:v15+s23+$0x0] =	vst.idx.msk $0xffff, v16  }
0x1ed: {  	v16 =	vld [tilespmem:$0x10600]  }
0x1ee: {  	v17 =	vld [tilespmem:$0x10610];
	_ =	sdelay $0x1  }
0x1ef: {  	v54 =	vld [tilespmem:$0x10620];
	_ =	sdelay $0x1  }
0x1f0: {  	v55 =	vld [tilespmem:$0x10630]  }
0x1f1: {  	v16 =	vadd.f32 v17, v16  }
0x1f2: {  	v17 =	vld [tilespmem:$0x10640]  }
0x1f3: {  	v16 =	vadd.f32 v54, v16  }
0x1f4: {  	v56 =	vld [tilespmem:$0x10650]  }
0x1f5: {  	v16 =	vadd.f32 v55, v16  }
0x1f6: {  	v57 =	vld [tilespmem:$0x10660]  }
0x1f7: {  	v16 =	vadd.f32 v17, v16  }
0x1f8: {  	v17 =	vld [tilespmem:$0x10670]  }
0x1f9: {  	v16 =	vadd.f32 v56, v16  }
0x1fa: {  	v58 =	vld [tilespmem:$0x10680]  }
0x1fb: {  	v16 =	vadd.f32 v57, v16  }
0x1fc: {  	v59 =	vld [tilespmem:$0x10690]  }
0x1fd: {  	v16 =	vadd.f32 v17, v16  }
0x1fe: {  	v17 =	vld [tilespmem:$0x106A0]  }
0x1ff: {  	v16 =	vadd.f32 v58, v16  }
0x200: {  	v60 =	vld [tilespmem:$0x106B0]  }
0x201: {  	v16 =	vadd.f32 v59, v16  }
0x202: {  	v61 =	vld [tilespmem:$0x106C0]  }
0x203: {  	v16 =	vadd.f32 v17, v16  }
0x204: {  	v17 =	vld [tilespmem:$0x106D0]  }
0x205: {  	v16 =	vadd.f32 v60, v16  }
0x206: {  	v62 =	vld [tilespmem:$0x106E0]  }
0x207: {  	v16 =	vadd.f32 v61, v16  }
0x208: {  	v63 =	vld [tilespmem:$0x106F0]  }
0x209: {  	v16 =	vadd.f32 v17, v16;
	_ =	sdelay $0x1  }
0x20a: {  	v16 =	vadd.f32 v62, v16;
	_ =	sdelay $0x1  }
0x20b: {  	s25 =	sadd.s32 $0x1, s25;
	v16 =	vadd.f32 v63, v16  }
0x20c: {  	p0 =	sne.s32 s25, s11  }
.Ltmp1:
0x20d: {  	[tilespmem:s28+$0x0] =	vst v16;
	(pc) =	sbr.rel @p0 .LBB2_1-.Ltmp1, $4  }
0x20e: {  	[hbm4b:s10+s1] =	stream.linear.scatter [tilespmem:s24], [sflag:$0x5], $0x200, $0x38;
	[tilespmem:$0x10900] =	vst v63  }
0x20f: {  	_ =	swait.ge [sflag:s12], $0x200  }
0x210: {  	[sflag:s12] =	ssyncset.done $0x0  }
0x211: {  	[sflag:s12] =	ssyncadd.s32 $0xFFFFFE00  }
0x212: {  	_ =	sfence.sel $0x180000  }
0x213: {  	[bflag:$0x0] =	sbarrier.arrive $0xFFFF  }
0x214: {  	p0 =	sne.s32 s2, $0x0;
	_ =	strace $0x90000047  }
0x215: {  	s0 =	sadd.s32 @!p0 $0x100000, s0;
	[bflag:$0x2] =	sbarrier.arrive $0xFFFF  }
0x216: {  	[sflag:s0] =	ssyncadd.tile.s32 @!p0 $0x1;
	_ =	shalt  }
.Lfunc_end2:
_tile_overlayer_lowered:
.L_overlay_start_2:
0x217: {  	(tag) =	ssettag $0x2  }
0x218: {  	s0 =	rddreg [dreg:$0x0];
	s2 =	stileid.u32  }
0x219: {  	s1 =	rddreg [dreg:$0x1];
	p0 =	sne.s32 s2, $0x0  }
0x21a: {  	s3 =	rddreg [dreg:$0x2];
	[bflag:$0x3] =	sbarrier.arrive $0xFFFF;
	s2 =	simm.s32 @!p0 $0x1C05  }
0x21b: {  	[timem:s3], [sflag:s2] =	dma.local @!p0 [hbm:s0], s1  }
0x21c: {  	s0 =	simm.s32 @!p0 $0x5  }
0x21d: {  	_ =	swait.ge @!p0 [sflag:s0], s1  }
0x21e: {  	s1 =	ssub.s32 @!p0 $0x0, s1;
	[sflag:s0] =	ssyncset.done @!p0 $0x0  }
0x21f: {  	[sflag:s0] =	ssyncadd.s32 @!p0 s1  }
0x220: {  	[bflag:$0x3] =	sbarrier.arrive $0xFFFF  }
0x221: {  	_ =	shalt  }

</sc_bundles>
